<compile_context>
chip_gen: v7x
topology: tpu7x:2x2x1
jax: 0.10.2.dev20260603
libtpu: 0.0.44.dev20260713+nightly
codegen_flags: <defaults>
</compile_context>

<pallas_src>
import functools

import jax
import jax.numpy as jnp
from jax import lax
from jax.experimental import pallas as pl
from jax.experimental.pallas import tpu as pltpu
from jax.experimental.pallas import tpu_sc as plsc

_D = 128
_NC = 2
_NS = 16
_NW = _NC * _NS
_BW = 128
_NB = 5
_LA = 3


@functools.lru_cache(maxsize=None)
def _build(batch, seq):
    assert batch == _NW * _BW
    n_chunks = seq
    assert n_chunks % _NB == 0 and n_chunks // _NB >= 2
    n_groups = n_chunks // _NB

    @functools.partial(
        pl.kernel,
        out_type=jax.ShapeDtypeStruct((seq, batch, _D), jnp.float32),
        mesh=plsc.VectorSubcoreMesh(core_axis_name="c", subcore_axis_name="s"),
        scratch_types=[
            pltpu.VMEM((seq, _BW), jnp.int32),
            [pltpu.VMEM((_BW, _D), jnp.float32) for _ in range(_NB)],
            [pltpu.SemaphoreType.DMA for _ in range(_NB)],
            [pltpu.SemaphoreType.DMA for _ in range(_NB)],
        ],
    )
    def emb(table_hbm, idx_hbm, out_hbm, idx_v, bufs, gsems, osems):
        wid = lax.axis_index("s") * _NC + lax.axis_index("c")
        base = wid * _BW
        pltpu.sync_copy(idx_hbm.at[:, pl.ds(base, _BW)], idx_v)

        def start_gather(j, b):
            pltpu.async_copy(table_hbm.at[idx_v.at[j]], bufs[b], gsems[b])

        def wait_gather(j, b):
            pltpu.make_async_copy(table_hbm.at[idx_v.at[j]], bufs[b],
                                  gsems[b]).wait()

        def start_out(j, b):
            pltpu.async_copy(bufs[b], out_hbm.at[j, pl.ds(base, _BW)], osems[b])

        def wait_out(b):
            pltpu.make_async_copy(bufs[b], out_hbm.at[0, pl.ds(0, _BW)],
                                  osems[b]).wait()

        for b in range(_LA):
            start_gather(b, b)

        for b in range(_NB):
            jn = b + _LA
            if jn < n_chunks:
                bb = jn % _NB
                if jn >= _NB:
                    wait_out(bb)
                start_gather(jn, bb)
            wait_gather(b, b)
            start_out(b, b)

        def group(g, carry):
            j0 = g * _NB
            for b in range(_NB):
                j = j0 + b
                bb = (b + _LA) % _NB
                wait_out(bb)
                start_gather(j + _LA, bb)
                wait_gather(j, b)
                start_out(j, b)
            return carry

        lax.fori_loop(1, n_groups - 1, group, 0)

        j0 = (n_groups - 1) * _NB
        for b in range(_NB):
            j = j0 + b
            jn = j + _LA
            if jn < n_chunks:
                bb = jn % _NB
                wait_out(bb)
                start_gather(jn, bb)
            wait_gather(j, b)
            start_out(j, b)

        for b in range(_NB):
            wait_out(b)

    return emb


def _tc_copy_body(t_ref, o_ref):
    o_ref[...] = t_ref[...]


@functools.lru_cache(maxsize=None)
def _build_table_copy(vocab):
    blk = 4000
    assert vocab % blk == 0
    return pl.pallas_call(
        _tc_copy_body,
        grid=(vocab // blk,),
        in_specs=[pl.BlockSpec((blk, _D), lambda i: (i, 0))],
        out_specs=pl.BlockSpec((blk, _D), lambda i: (i, 0)),
        out_shape=jax.ShapeDtypeStruct((vocab, _D), jnp.float32),
    )


def kernel(inputs, embedding_table):
    b, s = inputs.shape
    idx_t = inputs.astype(jnp.int32).T
    out = _build(b, s)(embedding_table, idx_t)
    table_out = _build_table_copy(embedding_table.shape[0])(embedding_table)
    return out.transpose(1, 0, 2), table_out

# --- scband reference (transcript-rebuilt; emitter-appended) ---
"""Pipeline reference for scband-embedding-lookup-21199958573374 (READ-ONLY COPY).

The authoritative reference and input builder live on the scoring server;
editing this copy changes nothing except your own understanding.
"""

import jax, jax.numpy as jnp
import numpy as np

VOCAB_SIZE = 100000
EMBEDDING_SIZE = 128

def setup_inputs(seed: int = 0) -> dict:
    key = jax.random.key(seed)
    k_idx, k_tab = jax.random.split(key)
    inputs = jax.random.randint(k_idx, (4096, 50), 0, VOCAB_SIZE, dtype=jnp.int64 if jax.config.jax_enable_x64 else jnp.int32)
    # truncated normal init, stddev=0.02 (matches tf truncated_normal_initializer)
    embedding_table = (jax.random.truncated_normal(k_tab, -2.0, 2.0, (VOCAB_SIZE, EMBEDDING_SIZE), dtype=jnp.float32) * 0.02)
    return {"inputs": inputs, "embedding_table": embedding_table}

def reference(inputs, embedding_table):
    # tf.gather(embedding_table, inputs) -> jnp.take along axis 0
    output = jnp.take(embedding_table, inputs, axis=0)
    return (output, embedding_table)

if __name__ == "__main__":
    import jax
    _d = setup_inputs()
    print(jax.jit(kernel)(*tuple(_d.values())))

</pallas_src>

<mosaic_0001>
#map = affine_map<(d0, d1) -> (0, 0)>
#map1 = affine_map<(d0, d1) -> (0, 0, 0)>
module attributes {stable_mosaic.version = 14 : i64} {
  func.func @emb(%arg0: i32, %arg1: i32, %arg2: memref<100000x128xf32, #tpu.memory_space<hbm>>, %arg3: memref<50x4096xi32, #tpu.memory_space<hbm>>, %arg4: memref<50x4096x128xf32, #tpu.memory_space<hbm>>, %arg5: memref<50x128xi32, #tpu.memory_space<vmem>>, %arg6: memref<128x128xf32, #tpu.memory_space<vmem>>, %arg7: memref<128x128xf32, #tpu.memory_space<vmem>>, %arg8: memref<128x128xf32, #tpu.memory_space<vmem>>, %arg9: memref<128x128xf32, #tpu.memory_space<vmem>>, %arg10: memref<128x128xf32, #tpu.memory_space<vmem>>, %arg11: memref<!tpu.dma_semaphore, #tpu.memory_space<semaphore_mem>>, %arg12: memref<!tpu.dma_semaphore, #tpu.memory_space<semaphore_mem>>, %arg13: memref<!tpu.dma_semaphore, #tpu.memory_space<semaphore_mem>>, %arg14: memref<!tpu.dma_semaphore, #tpu.memory_space<semaphore_mem>>, %arg15: memref<!tpu.dma_semaphore, #tpu.memory_space<semaphore_mem>>, %arg16: memref<!tpu.dma_semaphore, #tpu.memory_space<semaphore_mem>>, %arg17: memref<!tpu.dma_semaphore, #tpu.memory_space<semaphore_mem>>, %arg18: memref<!tpu.dma_semaphore, #tpu.memory_space<semaphore_mem>>, %arg19: memref<!tpu.dma_semaphore, #tpu.memory_space<semaphore_mem>>, %arg20: memref<!tpu.dma_semaphore, #tpu.memory_space<semaphore_mem>>) attributes {dimension_semantics = [#tpu.dimension_semantics<core_parallel>, #tpu.dimension_semantics<subcore_parallel>], iteration_bounds = array<i64: 2, 16>, scalar_prefetch = 0 : i64, scratch_operands = 16 : i64, tpu.core_type = #tpu.core_type<sc_vector_subcore>, window_params = [{transform_indices = #map}, {transform_indices = #map}, {transform_indices = #map1}]} {
    %mul3A = arith.constant 2 : i32
    %mul3A_0 = arith.muli %arg1, %mul3A : i32
    %add3A = arith.addi %mul3A_0, %arg0 : i32
    %mul3A_1 = arith.constant 128 : i32
    %mul3A_2 = arith.muli %add3A, %mul3A_1 : i32
    "tpu.region"() ({
      %run_scoped3A = tpu.sem_alloc : memref<!tpu.dma_semaphore, #tpu.memory_space<semaphore_mem>>
      %dma_start3A_306 = arith.constant 0 : i32
      %dma_start3A_307 = tpu.memref_slice %arg3[%dma_start3A_306, %mul3A_2] : memref<50x4096xi32, #tpu.memory_space<hbm>> -> memref<50x128xi32, #tpu.memory_space<hbm>>
      %dma_start3A_308 = arith.constant 0 : i32
      %dma_start3A_309 = tpu.memref_slice %arg3[%dma_start3A_308, %mul3A_2] : memref<50x4096xi32, #tpu.memory_space<hbm>> -> memref<50x128xi32, #tpu.memory_space<hbm>>
      tpu.enqueue_dma source(%dma_start3A_309 : memref<50x128xi32, #tpu.memory_space<hbm>>) target(%arg5 : memref<50x128xi32, #tpu.memory_space<vmem>>) target_semaphore(%run_scoped3A : memref<!tpu.dma_semaphore, #tpu.memory_space<semaphore_mem>>)
      %dma_wait3A_310 = arith.constant 0 : i32
      %dma_wait3A_311 = tpu.memref_slice %arg3[%dma_wait3A_310, %mul3A_2] : memref<50x4096xi32, #tpu.memory_space<hbm>> -> memref<50x128xi32, #tpu.memory_space<hbm>>
      %dma_wait3A_312 = arith.constant 0 : i32
      %dma_wait3A_313 = tpu.memref_slice %arg3[%dma_wait3A_312, %mul3A_2] : memref<50x4096xi32, #tpu.memory_space<hbm>> -> memref<50x128xi32, #tpu.memory_space<hbm>>
      tpu.wait_dma2 semaphore(%run_scoped3A : memref<!tpu.dma_semaphore, #tpu.memory_space<semaphore_mem>>) src(%dma_wait3A_313 : memref<50x128xi32, #tpu.memory_space<hbm>>) dst(%arg5 : memref<50x128xi32, #tpu.memory_space<vmem>>)
      tpu.yield
    }) : () -> ()
    %dma_start3A = arith.constant 0 : i32
    %dma_start3A_3 = arith.constant 0 : i32
    %dma_start3A_4 = tpu.memref_slice %arg5[%dma_start3A, %dma_start3A_3] : memref<50x128xi32, #tpu.memory_space<vmem>> -> memref<1x128xi32, #tpu.memory_space<vmem>>
    %dma_start3A_5 = tpu.memref_squeeze %dma_start3A_4 : memref<1x128xi32, #tpu.memory_space<vmem>> -> memref<128xi32, #tpu.memory_space<vmem>>
    %dma_start3A_6 = arith.constant 0 : i32
    %dma_start3A_7 = arith.constant 0 : i32
    %dma_start3A_8 = tpu.memref_slice %arg2[%dma_start3A_6, %dma_start3A_7] : memref<100000x128xf32, #tpu.memory_space<hbm>> -> memref<100000x128xf32, #tpu.memory_space<hbm>>
    tpu.enqueue_indirect_dma source(%dma_start3A_8 : memref<100000x128xf32, #tpu.memory_space<hbm>>) target(%arg6 : memref<128x128xf32, #tpu.memory_space<vmem>>) offsets(%dma_start3A_5 : memref<128xi32, #tpu.memory_space<vmem>>) semaphore(%arg11 : memref<!tpu.dma_semaphore, #tpu.memory_space<semaphore_mem>>)
    %dma_start3A_9 = arith.constant 1 : i32
    %dma_start3A_10 = arith.constant 0 : i32
    %dma_start3A_11 = tpu.memref_slice %arg5[%dma_start3A_9, %dma_start3A_10] : memref<50x128xi32, #tpu.memory_space<vmem>> -> memref<1x128xi32, #tpu.memory_space<vmem>>
    %dma_start3A_12 = tpu.memref_squeeze %dma_start3A_11 : memref<1x128xi32, #tpu.memory_space<vmem>> -> memref<128xi32, #tpu.memory_space<vmem>>
    %dma_start3A_13 = arith.constant 0 : i32
    %dma_start3A_14 = arith.constant 0 : i32
    %dma_start3A_15 = tpu.memref_slice %arg2[%dma_start3A_13, %dma_start3A_14] : memref<100000x128xf32, #tpu.memory_space<hbm>> -> memref<100000x128xf32, #tpu.memory_space<hbm>>
    tpu.enqueue_indirect_dma source(%dma_start3A_15 : memref<100000x128xf32, #tpu.memory_space<hbm>>) target(%arg7 : memref<128x128xf32, #tpu.memory_space<vmem>>) offsets(%dma_start3A_12 : memref<128xi32, #tpu.memory_space<vmem>>) semaphore(%arg12 : memref<!tpu.dma_semaphore, #tpu.memory_space<semaphore_mem>>)
    %dma_start3A_16 = arith.constant 2 : i32
    %dma_start3A_17 = arith.constant 0 : i32
    %dma_start3A_18 = tpu.memref_slice %arg5[%dma_start3A_16, %dma_start3A_17] : memref<50x128xi32, #tpu.memory_space<vmem>> -> memref<1x128xi32, #tpu.memory_space<vmem>>
    %dma_start3A_19 = tpu.memref_squeeze %dma_start3A_18 : memref<1x128xi32, #tpu.memory_space<vmem>> -> memref<128xi32, #tpu.memory_space<vmem>>
    %dma_start3A_20 = arith.constant 0 : i32
    %dma_start3A_21 = arith.constant 0 : i32
    %dma_start3A_22 = tpu.memref_slice %arg2[%dma_start3A_20, %dma_start3A_21] : memref<100000x128xf32, #tpu.memory_space<hbm>> -> memref<100000x128xf32, #tpu.memory_space<hbm>>
    tpu.enqueue_indirect_dma source(%dma_start3A_22 : memref<100000x128xf32, #tpu.memory_space<hbm>>) target(%arg8 : memref<128x128xf32, #tpu.memory_space<vmem>>) offsets(%dma_start3A_19 : memref<128xi32, #tpu.memory_space<vmem>>) semaphore(%arg13 : memref<!tpu.dma_semaphore, #tpu.memory_space<semaphore_mem>>)
    %dma_start3A_23 = arith.constant 3 : i32
    %dma_start3A_24 = arith.constant 0 : i32
    %dma_start3A_25 = tpu.memref_slice %arg5[%dma_start3A_23, %dma_start3A_24] : memref<50x128xi32, #tpu.memory_space<vmem>> -> memref<1x128xi32, #tpu.memory_space<vmem>>
    %dma_start3A_26 = tpu.memref_squeeze %dma_start3A_25 : memref<1x128xi32, #tpu.memory_space<vmem>> -> memref<128xi32, #tpu.memory_space<vmem>>
    %dma_start3A_27 = arith.constant 0 : i32
    %dma_start3A_28 = arith.constant 0 : i32
    %dma_start3A_29 = tpu.memref_slice %arg2[%dma_start3A_27, %dma_start3A_28] : memref<100000x128xf32, #tpu.memory_space<hbm>> -> memref<100000x128xf32, #tpu.memory_space<hbm>>
    tpu.enqueue_indirect_dma source(%dma_start3A_29 : memref<100000x128xf32, #tpu.memory_space<hbm>>) target(%arg9 : memref<128x128xf32, #tpu.memory_space<vmem>>) offsets(%dma_start3A_26 : memref<128xi32, #tpu.memory_space<vmem>>) semaphore(%arg14 : memref<!tpu.dma_semaphore, #tpu.memory_space<semaphore_mem>>)
    %dma_wait3A = arith.constant 0 : i32
    %dma_wait3A_30 = arith.constant 0 : i32
    %dma_wait3A_31 = tpu.memref_slice %arg5[%dma_wait3A, %dma_wait3A_30] : memref<50x128xi32, #tpu.memory_space<vmem>> -> memref<1x128xi32, #tpu.memory_space<vmem>>
    %dma_wait3A_32 = tpu.memref_squeeze %dma_wait3A_31 : memref<1x128xi32, #tpu.memory_space<vmem>> -> memref<128xi32, #tpu.memory_space<vmem>>
    %dma_wait3A_33 = arith.constant 0 : i32
    %dma_wait3A_34 = arith.constant 0 : i32
    %dma_wait3A_35 = tpu.memref_slice %arg2[%dma_wait3A_33, %dma_wait3A_34] : memref<100000x128xf32, #tpu.memory_space<hbm>> -> memref<100000x128xf32, #tpu.memory_space<hbm>>
    tpu.wait_indirect_dma semaphore(%arg11 : memref<!tpu.dma_semaphore, #tpu.memory_space<semaphore_mem>>) src(%dma_wait3A_35 : memref<100000x128xf32, #tpu.memory_space<hbm>>) dst(%arg6 : memref<128x128xf32, #tpu.memory_space<vmem>>)
    %dma_start3A_36 = arith.constant 0 : i32
    %dma_start3A_37 = arith.constant 0 : i32
    %dma_start3A_38 = tpu.memref_slice %arg4[%dma_start3A_36, %mul3A_2, %dma_start3A_37] : memref<50x4096x128xf32, #tpu.memory_space<hbm>> -> memref<1x128x128xf32, #tpu.memory_space<hbm>>
    %dma_start3A_39 = tpu.memref_squeeze %dma_start3A_38 : memref<1x128x128xf32, #tpu.memory_space<hbm>> -> memref<128x128xf32, #tpu.memory_space<hbm>>
    %dma_start3A_40 = arith.constant 0 : i32
    %dma_start3A_41 = tpu.memref_slice %arg4[%dma_start3A_36, %mul3A_2, %dma_start3A_40] : memref<50x4096x128xf32, #tpu.memory_space<hbm>> -> memref<1x128x128xf32, #tpu.memory_space<hbm>>
    %dma_start3A_42 = tpu.memref_squeeze %dma_start3A_41 : memref<1x128x128xf32, #tpu.memory_space<hbm>> -> memref<128x128xf32, #tpu.memory_space<hbm>>
    tpu.enqueue_dma source(%arg6 : memref<128x128xf32, #tpu.memory_space<vmem>>) target(%dma_start3A_42 : memref<128x128xf32, #tpu.memory_space<hbm>>) target_semaphore(%arg16 : memref<!tpu.dma_semaphore, #tpu.memory_space<semaphore_mem>>)
    %dma_start3A_43 = arith.constant 4 : i32
    %dma_start3A_44 = arith.constant 0 : i32
    %dma_start3A_45 = tpu.memref_slice %arg5[%dma_start3A_43, %dma_start3A_44] : memref<50x128xi32, #tpu.memory_space<vmem>> -> memref<1x128xi32, #tpu.memory_space<vmem>>
    %dma_start3A_46 = tpu.memref_squeeze %dma_start3A_45 : memref<1x128xi32, #tpu.memory_space<vmem>> -> memref<128xi32, #tpu.memory_space<vmem>>
    %dma_start3A_47 = arith.constant 0 : i32
    %dma_start3A_48 = arith.constant 0 : i32
    %dma_start3A_49 = tpu.memref_slice %arg2[%dma_start3A_47, %dma_start3A_48] : memref<100000x128xf32, #tpu.memory_space<hbm>> -> memref<100000x128xf32, #tpu.memory_space<hbm>>
    tpu.enqueue_indirect_dma source(%dma_start3A_49 : memref<100000x128xf32, #tpu.memory_space<hbm>>) target(%arg10 : memref<128x128xf32, #tpu.memory_space<vmem>>) offsets(%dma_start3A_46 : memref<128xi32, #tpu.memory_space<vmem>>) semaphore(%arg15 : memref<!tpu.dma_semaphore, #tpu.memory_space<semaphore_mem>>)
    %dma_wait3A_50 = arith.constant 1 : i32
    %dma_wait3A_51 = arith.constant 0 : i32
    %dma_wait3A_52 = tpu.memref_slice %arg5[%dma_wait3A_50, %dma_wait3A_51] : memref<50x128xi32, #tpu.memory_space<vmem>> -> memref<1x128xi32, #tpu.memory_space<vmem>>
    %dma_wait3A_53 = tpu.memref_squeeze %dma_wait3A_52 : memref<1x128xi32, #tpu.memory_space<vmem>> -> memref<128xi32, #tpu.memory_space<vmem>>
    %dma_wait3A_54 = arith.constant 0 : i32
    %dma_wait3A_55 = arith.constant 0 : i32
    %dma_wait3A_56 = tpu.memref_slice %arg2[%dma_wait3A_54, %dma_wait3A_55] : memref<100000x128xf32, #tpu.memory_space<hbm>> -> memref<100000x128xf32, #tpu.memory_space<hbm>>
    tpu.wait_indirect_dma semaphore(%arg12 : memref<!tpu.dma_semaphore, #tpu.memory_space<semaphore_mem>>) src(%dma_wait3A_56 : memref<100000x128xf32, #tpu.memory_space<hbm>>) dst(%arg7 : memref<128x128xf32, #tpu.memory_space<vmem>>)
    %dma_start3A_57 = arith.constant 1 : i32
    %dma_start3A_58 = arith.constant 0 : i32
    %dma_start3A_59 = tpu.memref_slice %arg4[%dma_start3A_57, %mul3A_2, %dma_start3A_58] : memref<50x4096x128xf32, #tpu.memory_space<hbm>> -> memref<1x128x128xf32, #tpu.memory_space<hbm>>
    %dma_start3A_60 = tpu.memref_squeeze %dma_start3A_59 : memref<1x128x128xf32, #tpu.memory_space<hbm>> -> memref<128x128xf32, #tpu.memory_space<hbm>>
    %dma_start3A_61 = arith.constant 0 : i32
    %dma_start3A_62 = tpu.memref_slice %arg4[%dma_start3A_57, %mul3A_2, %dma_start3A_61] : memref<50x4096x128xf32, #tpu.memory_space<hbm>> -> memref<1x128x128xf32, #tpu.memory_space<hbm>>
    %dma_start3A_63 = tpu.memref_squeeze %dma_start3A_62 : memref<1x128x128xf32, #tpu.memory_space<hbm>> -> memref<128x128xf32, #tpu.memory_space<hbm>>
    tpu.enqueue_dma source(%arg7 : memref<128x128xf32, #tpu.memory_space<vmem>>) target(%dma_start3A_63 : memref<128x128xf32, #tpu.memory_space<hbm>>) target_semaphore(%arg17 : memref<!tpu.dma_semaphore, #tpu.memory_space<semaphore_mem>>)
    %dma_wait3A_64 = arith.constant 0 : i32
    %dma_wait3A_65 = arith.constant 0 : i32
    %dma_wait3A_66 = arith.constant 0 : i32
    %dma_wait3A_67 = tpu.memref_slice %arg4[%dma_wait3A_64, %dma_wait3A_65, %dma_wait3A_66] : memref<50x4096x128xf32, #tpu.memory_space<hbm>> -> memref<1x128x128xf32, #tpu.memory_space<hbm>>
    %dma_wait3A_68 = tpu.memref_squeeze %dma_wait3A_67 : memref<1x128x128xf32, #tpu.memory_space<hbm>> -> memref<128x128xf32, #tpu.memory_space<hbm>>
    %dma_wait3A_69 = arith.constant 0 : i32
    %dma_wait3A_70 = arith.constant 0 : i32
    %dma_wait3A_71 = tpu.memref_slice %arg4[%dma_wait3A_64, %dma_wait3A_69, %dma_wait3A_70] : memref<50x4096x128xf32, #tpu.memory_space<hbm>> -> memref<1x128x128xf32, #tpu.memory_space<hbm>>
    %dma_wait3A_72 = tpu.memref_squeeze %dma_wait3A_71 : memref<1x128x128xf32, #tpu.memory_space<hbm>> -> memref<128x128xf32, #tpu.memory_space<hbm>>
    tpu.wait_dma2 semaphore(%arg16 : memref<!tpu.dma_semaphore, #tpu.memory_space<semaphore_mem>>) src(%arg6 : memref<128x128xf32, #tpu.memory_space<vmem>>) dst(%dma_wait3A_72 : memref<128x128xf32, #tpu.memory_space<hbm>>)
    %dma_start3A_73 = arith.constant 5 : i32
    %dma_start3A_74 = arith.constant 0 : i32
    %dma_start3A_75 = tpu.memref_slice %arg5[%dma_start3A_73, %dma_start3A_74] : memref<50x128xi32, #tpu.memory_space<vmem>> -> memref<1x128xi32, #tpu.memory_space<vmem>>
    %dma_start3A_76 = tpu.memref_squeeze %dma_start3A_75 : memref<1x128xi32, #tpu.memory_space<vmem>> -> memref<128xi32, #tpu.memory_space<vmem>>
    %dma_start3A_77 = arith.constant 0 : i32
    %dma_start3A_78 = arith.constant 0 : i32
    %dma_start3A_79 = tpu.memref_slice %arg2[%dma_start3A_77, %dma_start3A_78] : memref<100000x128xf32, #tpu.memory_space<hbm>> -> memref<100000x128xf32, #tpu.memory_space<hbm>>
    tpu.enqueue_indirect_dma source(%dma_start3A_79 : memref<100000x128xf32, #tpu.memory_space<hbm>>) target(%arg6 : memref<128x128xf32, #tpu.memory_space<vmem>>) offsets(%dma_start3A_76 : memref<128xi32, #tpu.memory_space<vmem>>) semaphore(%arg11 : memref<!tpu.dma_semaphore, #tpu.memory_space<semaphore_mem>>)
    %dma_wait3A_80 = arith.constant 2 : i32
    %dma_wait3A_81 = arith.constant 0 : i32
    %dma_wait3A_82 = tpu.memref_slice %arg5[%dma_wait3A_80, %dma_wait3A_81] : memref<50x128xi32, #tpu.memory_space<vmem>> -> memref<1x128xi32, #tpu.memory_space<vmem>>
    %dma_wait3A_83 = tpu.memref_squeeze %dma_wait3A_82 : memref<1x128xi32, #tpu.memory_space<vmem>> -> memref<128xi32, #tpu.memory_space<vmem>>
    %dma_wait3A_84 = arith.constant 0 : i32
    %dma_wait3A_85 = arith.constant 0 : i32
    %dma_wait3A_86 = tpu.memref_slice %arg2[%dma_wait3A_84, %dma_wait3A_85] : memref<100000x128xf32, #tpu.memory_space<hbm>> -> memref<100000x128xf32, #tpu.memory_space<hbm>>
    tpu.wait_indirect_dma semaphore(%arg13 : memref<!tpu.dma_semaphore, #tpu.memory_space<semaphore_mem>>) src(%dma_wait3A_86 : memref<100000x128xf32, #tpu.memory_space<hbm>>) dst(%arg8 : memref<128x128xf32, #tpu.memory_space<vmem>>)
    %dma_start3A_87 = arith.constant 2 : i32
    %dma_start3A_88 = arith.constant 0 : i32
    %dma_start3A_89 = tpu.memref_slice %arg4[%dma_start3A_87, %mul3A_2, %dma_start3A_88] : memref<50x4096x128xf32, #tpu.memory_space<hbm>> -> memref<1x128x128xf32, #tpu.memory_space<hbm>>
    %dma_start3A_90 = tpu.memref_squeeze %dma_start3A_89 : memref<1x128x128xf32, #tpu.memory_space<hbm>> -> memref<128x128xf32, #tpu.memory_space<hbm>>
    %dma_start3A_91 = arith.constant 0 : i32
    %dma_start3A_92 = tpu.memref_slice %arg4[%dma_start3A_87, %mul3A_2, %dma_start3A_91] : memref<50x4096x128xf32, #tpu.memory_space<hbm>> -> memref<1x128x128xf32, #tpu.memory_space<hbm>>
    %dma_start3A_93 = tpu.memref_squeeze %dma_start3A_92 : memref<1x128x128xf32, #tpu.memory_space<hbm>> -> memref<128x128xf32, #tpu.memory_space<hbm>>
    tpu.enqueue_dma source(%arg8 : memref<128x128xf32, #tpu.memory_space<vmem>>) target(%dma_start3A_93 : memref<128x128xf32, #tpu.memory_space<hbm>>) target_semaphore(%arg18 : memref<!tpu.dma_semaphore, #tpu.memory_space<semaphore_mem>>)
    %dma_wait3A_94 = arith.constant 0 : i32
    %dma_wait3A_95 = arith.constant 0 : i32
    %dma_wait3A_96 = arith.constant 0 : i32
    %dma_wait3A_97 = tpu.memref_slice %arg4[%dma_wait3A_94, %dma_wait3A_95, %dma_wait3A_96] : memref<50x4096x128xf32, #tpu.memory_space<hbm>> -> memref<1x128x128xf32, #tpu.memory_space<hbm>>
    %dma_wait3A_98 = tpu.memref_squeeze %dma_wait3A_97 : memref<1x128x128xf32, #tpu.memory_space<hbm>> -> memref<128x128xf32, #tpu.memory_space<hbm>>
    %dma_wait3A_99 = arith.constant 0 : i32
    %dma_wait3A_100 = arith.constant 0 : i32
    %dma_wait3A_101 = tpu.memref_slice %arg4[%dma_wait3A_94, %dma_wait3A_99, %dma_wait3A_100] : memref<50x4096x128xf32, #tpu.memory_space<hbm>> -> memref<1x128x128xf32, #tpu.memory_space<hbm>>
    %dma_wait3A_102 = tpu.memref_squeeze %dma_wait3A_101 : memref<1x128x128xf32, #tpu.memory_space<hbm>> -> memref<128x128xf32, #tpu.memory_space<hbm>>
    tpu.wait_dma2 semaphore(%arg17 : memref<!tpu.dma_semaphore, #tpu.memory_space<semaphore_mem>>) src(%arg7 : memref<128x128xf32, #tpu.memory_space<vmem>>) dst(%dma_wait3A_102 : memref<128x128xf32, #tpu.memory_space<hbm>>)
    %dma_start3A_103 = arith.constant 6 : i32
    %dma_start3A_104 = arith.constant 0 : i32
    %dma_start3A_105 = tpu.memref_slice %arg5[%dma_start3A_103, %dma_start3A_104] : memref<50x128xi32, #tpu.memory_space<vmem>> -> memref<1x128xi32, #tpu.memory_space<vmem>>
    %dma_start3A_106 = tpu.memref_squeeze %dma_start3A_105 : memref<1x128xi32, #tpu.memory_space<vmem>> -> memref<128xi32, #tpu.memory_space<vmem>>
    %dma_start3A_107 = arith.constant 0 : i32
    %dma_start3A_108 = arith.constant 0 : i32
    %dma_start3A_109 = tpu.memref_slice %arg2[%dma_start3A_107, %dma_start3A_108] : memref<100000x128xf32, #tpu.memory_space<hbm>> -> memref<100000x128xf32, #tpu.memory_space<hbm>>
    tpu.enqueue_indirect_dma source(%dma_start3A_109 : memref<100000x128xf32, #tpu.memory_space<hbm>>) target(%arg7 : memref<128x128xf32, #tpu.memory_space<vmem>>) offsets(%dma_start3A_106 : memref<128xi32, #tpu.memory_space<vmem>>) semaphore(%arg12 : memref<!tpu.dma_semaphore, #tpu.memory_space<semaphore_mem>>)
    %dma_wait3A_110 = arith.constant 3 : i32
    %dma_wait3A_111 = arith.constant 0 : i32
    %dma_wait3A_112 = tpu.memref_slice %arg5[%dma_wait3A_110, %dma_wait3A_111] : memref<50x128xi32, #tpu.memory_space<vmem>> -> memref<1x128xi32, #tpu.memory_space<vmem>>
    %dma_wait3A_113 = tpu.memref_squeeze %dma_wait3A_112 : memref<1x128xi32, #tpu.memory_space<vmem>> -> memref<128xi32, #tpu.memory_space<vmem>>
    %dma_wait3A_114 = arith.constant 0 : i32
    %dma_wait3A_115 = arith.constant 0 : i32
    %dma_wait3A_116 = tpu.memref_slice %arg2[%dma_wait3A_114, %dma_wait3A_115] : memref<100000x128xf32, #tpu.memory_space<hbm>> -> memref<100000x128xf32, #tpu.memory_space<hbm>>
    tpu.wait_indirect_dma semaphore(%arg14 : memref<!tpu.dma_semaphore, #tpu.memory_space<semaphore_mem>>) src(%dma_wait3A_116 : memref<100000x128xf32, #tpu.memory_space<hbm>>) dst(%arg9 : memref<128x128xf32, #tpu.memory_space<vmem>>)
    %dma_start3A_117 = arith.constant 3 : i32
    %dma_start3A_118 = arith.constant 0 : i32
    %dma_start3A_119 = tpu.memref_slice %arg4[%dma_start3A_117, %mul3A_2, %dma_start3A_118] : memref<50x4096x128xf32, #tpu.memory_space<hbm>> -> memref<1x128x128xf32, #tpu.memory_space<hbm>>
    %dma_start3A_120 = tpu.memref_squeeze %dma_start3A_119 : memref<1x128x128xf32, #tpu.memory_space<hbm>> -> memref<128x128xf32, #tpu.memory_space<hbm>>
    %dma_start3A_121 = arith.constant 0 : i32
    %dma_start3A_122 = tpu.memref_slice %arg4[%dma_start3A_117, %mul3A_2, %dma_start3A_121] : memref<50x4096x128xf32, #tpu.memory_space<hbm>> -> memref<1x128x128xf32, #tpu.memory_space<hbm>>
    %dma_start3A_123 = tpu.memref_squeeze %dma_start3A_122 : memref<1x128x128xf32, #tpu.memory_space<hbm>> -> memref<128x128xf32, #tpu.memory_space<hbm>>
    tpu.enqueue_dma source(%arg9 : memref<128x128xf32, #tpu.memory_space<vmem>>) target(%dma_start3A_123 : memref<128x128xf32, #tpu.memory_space<hbm>>) target_semaphore(%arg19 : memref<!tpu.dma_semaphore, #tpu.memory_space<semaphore_mem>>)
    %dma_wait3A_124 = arith.constant 0 : i32
    %dma_wait3A_125 = arith.constant 0 : i32
    %dma_wait3A_126 = arith.constant 0 : i32
    %dma_wait3A_127 = tpu.memref_slice %arg4[%dma_wait3A_124, %dma_wait3A_125, %dma_wait3A_126] : memref<50x4096x128xf32, #tpu.memory_space<hbm>> -> memref<1x128x128xf32, #tpu.memory_space<hbm>>
    %dma_wait3A_128 = tpu.memref_squeeze %dma_wait3A_127 : memref<1x128x128xf32, #tpu.memory_space<hbm>> -> memref<128x128xf32, #tpu.memory_space<hbm>>
    %dma_wait3A_129 = arith.constant 0 : i32
    %dma_wait3A_130 = arith.constant 0 : i32
    %dma_wait3A_131 = tpu.memref_slice %arg4[%dma_wait3A_124, %dma_wait3A_129, %dma_wait3A_130] : memref<50x4096x128xf32, #tpu.memory_space<hbm>> -> memref<1x128x128xf32, #tpu.memory_space<hbm>>
    %dma_wait3A_132 = tpu.memref_squeeze %dma_wait3A_131 : memref<1x128x128xf32, #tpu.memory_space<hbm>> -> memref<128x128xf32, #tpu.memory_space<hbm>>
    tpu.wait_dma2 semaphore(%arg18 : memref<!tpu.dma_semaphore, #tpu.memory_space<semaphore_mem>>) src(%arg8 : memref<128x128xf32, #tpu.memory_space<vmem>>) dst(%dma_wait3A_132 : memref<128x128xf32, #tpu.memory_space<hbm>>)
    %dma_start3A_133 = arith.constant 7 : i32
    %dma_start3A_134 = arith.constant 0 : i32
    %dma_start3A_135 = tpu.memref_slice %arg5[%dma_start3A_133, %dma_start3A_134] : memref<50x128xi32, #tpu.memory_space<vmem>> -> memref<1x128xi32, #tpu.memory_space<vmem>>
    %dma_start3A_136 = tpu.memref_squeeze %dma_start3A_135 : memref<1x128xi32, #tpu.memory_space<vmem>> -> memref<128xi32, #tpu.memory_space<vmem>>
    %dma_start3A_137 = arith.constant 0 : i32
    %dma_start3A_138 = arith.constant 0 : i32
    %dma_start3A_139 = tpu.memref_slice %arg2[%dma_start3A_137, %dma_start3A_138] : memref<100000x128xf32, #tpu.memory_space<hbm>> -> memref<100000x128xf32, #tpu.memory_space<hbm>>
    tpu.enqueue_indirect_dma source(%dma_start3A_139 : memref<100000x128xf32, #tpu.memory_space<hbm>>) target(%arg8 : memref<128x128xf32, #tpu.memory_space<vmem>>) offsets(%dma_start3A_136 : memref<128xi32, #tpu.memory_space<vmem>>) semaphore(%arg13 : memref<!tpu.dma_semaphore, #tpu.memory_space<semaphore_mem>>)
    %dma_wait3A_140 = arith.constant 4 : i32
    %dma_wait3A_141 = arith.constant 0 : i32
    %dma_wait3A_142 = tpu.memref_slice %arg5[%dma_wait3A_140, %dma_wait3A_141] : memref<50x128xi32, #tpu.memory_space<vmem>> -> memref<1x128xi32, #tpu.memory_space<vmem>>
    %dma_wait3A_143 = tpu.memref_squeeze %dma_wait3A_142 : memref<1x128xi32, #tpu.memory_space<vmem>> -> memref<128xi32, #tpu.memory_space<vmem>>
    %dma_wait3A_144 = arith.constant 0 : i32
    %dma_wait3A_145 = arith.constant 0 : i32
    %dma_wait3A_146 = tpu.memref_slice %arg2[%dma_wait3A_144, %dma_wait3A_145] : memref<100000x128xf32, #tpu.memory_space<hbm>> -> memref<100000x128xf32, #tpu.memory_space<hbm>>
    tpu.wait_indirect_dma semaphore(%arg15 : memref<!tpu.dma_semaphore, #tpu.memory_space<semaphore_mem>>) src(%dma_wait3A_146 : memref<100000x128xf32, #tpu.memory_space<hbm>>) dst(%arg10 : memref<128x128xf32, #tpu.memory_space<vmem>>)
    %dma_start3A_147 = arith.constant 4 : i32
    %dma_start3A_148 = arith.constant 0 : i32
    %dma_start3A_149 = tpu.memref_slice %arg4[%dma_start3A_147, %mul3A_2, %dma_start3A_148] : memref<50x4096x128xf32, #tpu.memory_space<hbm>> -> memref<1x128x128xf32, #tpu.memory_space<hbm>>
    %dma_start3A_150 = tpu.memref_squeeze %dma_start3A_149 : memref<1x128x128xf32, #tpu.memory_space<hbm>> -> memref<128x128xf32, #tpu.memory_space<hbm>>
    %dma_start3A_151 = arith.constant 0 : i32
    %dma_start3A_152 = tpu.memref_slice %arg4[%dma_start3A_147, %mul3A_2, %dma_start3A_151] : memref<50x4096x128xf32, #tpu.memory_space<hbm>> -> memref<1x128x128xf32, #tpu.memory_space<hbm>>
    %dma_start3A_153 = tpu.memref_squeeze %dma_start3A_152 : memref<1x128x128xf32, #tpu.memory_space<hbm>> -> memref<128x128xf32, #tpu.memory_space<hbm>>
    tpu.enqueue_dma source(%arg10 : memref<128x128xf32, #tpu.memory_space<vmem>>) target(%dma_start3A_153 : memref<128x128xf32, #tpu.memory_space<hbm>>) target_semaphore(%arg20 : memref<!tpu.dma_semaphore, #tpu.memory_space<semaphore_mem>>)
    %scan3A = arith.constant 0 : i32
    %scan3A_154 = arith.constant 1 : i32
    %scan3A_155 = arith.constant 8 : i32
    %scan3A_156 = arith.addi %scan3A_154, %scan3A_155 : i32
    %scan3A_157 = arith.constant 1 : i32
    scf.for %scan3A_306 = %scan3A_154 to %scan3A_156 step %scan3A_157  : i32 {
      %mul3A_307 = arith.constant 5 : i32
      %mul3A_308 = arith.muli %scan3A_306, %mul3A_307 : i32
      %add3A_309 = arith.constant 0 : i32
      %add3A_310 = arith.addi %mul3A_308, %add3A_309 : i32
      %dma_wait3A_311 = arith.constant 0 : i32
      %dma_wait3A_312 = arith.constant 0 : i32
      %dma_wait3A_313 = arith.constant 0 : i32
      %dma_wait3A_314 = tpu.memref_slice %arg4[%dma_wait3A_311, %dma_wait3A_312, %dma_wait3A_313] : memref<50x4096x128xf32, #tpu.memory_space<hbm>> -> memref<1x128x128xf32, #tpu.memory_space<hbm>>
      %dma_wait3A_315 = tpu.memref_squeeze %dma_wait3A_314 : memref<1x128x128xf32, #tpu.memory_space<hbm>> -> memref<128x128xf32, #tpu.memory_space<hbm>>
      %dma_wait3A_316 = arith.constant 0 : i32
      %dma_wait3A_317 = arith.constant 0 : i32
      %dma_wait3A_318 = tpu.memref_slice %arg4[%dma_wait3A_311, %dma_wait3A_316, %dma_wait3A_317] : memref<50x4096x128xf32, #tpu.memory_space<hbm>> -> memref<1x128x128xf32, #tpu.memory_space<hbm>>
      %dma_wait3A_319 = tpu.memref_squeeze %dma_wait3A_318 : memref<1x128x128xf32, #tpu.memory_space<hbm>> -> memref<128x128xf32, #tpu.memory_space<hbm>>
      tpu.wait_dma2 semaphore(%arg19 : memref<!tpu.dma_semaphore, #tpu.memory_space<semaphore_mem>>) src(%arg9 : memref<128x128xf32, #tpu.memory_space<vmem>>) dst(%dma_wait3A_319 : memref<128x128xf32, #tpu.memory_space<hbm>>)
      %add3A_320 = arith.constant 3 : i32
      %add3A_321 = arith.addi %add3A_310, %add3A_320 : i32
      %dma_start3A_322 = arith.constant 0 : i32
      %dma_start3A_323 = tpu.memref_slice %arg5[%add3A_321, %dma_start3A_322] : memref<50x128xi32, #tpu.memory_space<vmem>> -> memref<1x128xi32, #tpu.memory_space<vmem>>
      %dma_start3A_324 = tpu.memref_squeeze %dma_start3A_323 : memref<1x128xi32, #tpu.memory_space<vmem>> -> memref<128xi32, #tpu.memory_space<vmem>>
      %dma_start3A_325 = arith.constant 0 : i32
      %dma_start3A_326 = arith.constant 0 : i32
      %dma_start3A_327 = tpu.memref_slice %arg2[%dma_start3A_325, %dma_start3A_326] : memref<100000x128xf32, #tpu.memory_space<hbm>> -> memref<100000x128xf32, #tpu.memory_space<hbm>>
      tpu.enqueue_indirect_dma source(%dma_start3A_327 : memref<100000x128xf32, #tpu.memory_space<hbm>>) target(%arg9 : memref<128x128xf32, #tpu.memory_space<vmem>>) offsets(%dma_start3A_324 : memref<128xi32, #tpu.memory_space<vmem>>) semaphore(%arg14 : memref<!tpu.dma_semaphore, #tpu.memory_space<semaphore_mem>>)
      %dma_wait3A_328 = arith.constant 0 : i32
      %dma_wait3A_329 = tpu.memref_slice %arg5[%add3A_310, %dma_wait3A_328] : memref<50x128xi32, #tpu.memory_space<vmem>> -> memref<1x128xi32, #tpu.memory_space<vmem>>
      %dma_wait3A_330 = tpu.memref_squeeze %dma_wait3A_329 : memref<1x128xi32, #tpu.memory_space<vmem>> -> memref<128xi32, #tpu.memory_space<vmem>>
      %dma_wait3A_331 = arith.constant 0 : i32
      %dma_wait3A_332 = arith.constant 0 : i32
      %dma_wait3A_333 = tpu.memref_slice %arg2[%dma_wait3A_331, %dma_wait3A_332] : memref<100000x128xf32, #tpu.memory_space<hbm>> -> memref<100000x128xf32, #tpu.memory_space<hbm>>
      tpu.wait_indirect_dma semaphore(%arg11 : memref<!tpu.dma_semaphore, #tpu.memory_space<semaphore_mem>>) src(%dma_wait3A_333 : memref<100000x128xf32, #tpu.memory_space<hbm>>) dst(%arg6 : memref<128x128xf32, #tpu.memory_space<vmem>>)
      %dma_start3A_334 = arith.constant 0 : i32
      %dma_start3A_335 = tpu.memref_slice %arg4[%add3A_310, %mul3A_2, %dma_start3A_334] : memref<50x4096x128xf32, #tpu.memory_space<hbm>> -> memref<1x128x128xf32, #tpu.memory_space<hbm>>
      %dma_start3A_336 = tpu.memref_squeeze %dma_start3A_335 : memref<1x128x128xf32, #tpu.memory_space<hbm>> -> memref<128x128xf32, #tpu.memory_space<hbm>>
      %dma_start3A_337 = arith.constant 0 : i32
      %dma_start3A_338 = tpu.memref_slice %arg4[%add3A_310, %mul3A_2, %dma_start3A_337] : memref<50x4096x128xf32, #tpu.memory_space<hbm>> -> memref<1x128x128xf32, #tpu.memory_space<hbm>>
      %dma_start3A_339 = tpu.memref_squeeze %dma_start3A_338 : memref<1x128x128xf32, #tpu.memory_space<hbm>> -> memref<128x128xf32, #tpu.memory_space<hbm>>
      tpu.enqueue_dma source(%arg6 : memref<128x128xf32, #tpu.memory_space<vmem>>) target(%dma_start3A_339 : memref<128x128xf32, #tpu.memory_space<hbm>>) target_semaphore(%arg16 : memref<!tpu.dma_semaphore, #tpu.memory_space<semaphore_mem>>)
      %add3A_340 = arith.constant 1 : i32
      %add3A_341 = arith.addi %mul3A_308, %add3A_340 : i32
      %dma_wait3A_342 = arith.constant 0 : i32
      %dma_wait3A_343 = arith.constant 0 : i32
      %dma_wait3A_344 = arith.constant 0 : i32
      %dma_wait3A_345 = tpu.memref_slice %arg4[%dma_wait3A_342, %dma_wait3A_343, %dma_wait3A_344] : memref<50x4096x128xf32, #tpu.memory_space<hbm>> -> memref<1x128x128xf32, #tpu.memory_space<hbm>>
      %dma_wait3A_346 = tpu.memref_squeeze %dma_wait3A_345 : memref<1x128x128xf32, #tpu.memory_space<hbm>> -> memref<128x128xf32, #tpu.memory_space<hbm>>
      %dma_wait3A_347 = arith.constant 0 : i32
      %dma_wait3A_348 = arith.constant 0 : i32
      %dma_wait3A_349 = tpu.memref_slice %arg4[%dma_wait3A_342, %dma_wait3A_347, %dma_wait3A_348] : memref<50x4096x128xf32, #tpu.memory_space<hbm>> -> memref<1x128x128xf32, #tpu.memory_space<hbm>>
      %dma_wait3A_350 = tpu.memref_squeeze %dma_wait3A_349 : memref<1x128x128xf32, #tpu.memory_space<hbm>> -> memref<128x128xf32, #tpu.memory_space<hbm>>
      tpu.wait_dma2 semaphore(%arg20 : memref<!tpu.dma_semaphore, #tpu.memory_space<semaphore_mem>>) src(%arg10 : memref<128x128xf32, #tpu.memory_space<vmem>>) dst(%dma_wait3A_350 : memref<128x128xf32, #tpu.memory_space<hbm>>)
      %add3A_351 = arith.constant 3 : i32
      %add3A_352 = arith.addi %add3A_341, %add3A_351 : i32
      %dma_start3A_353 = arith.constant 0 : i32
      %dma_start3A_354 = tpu.memref_slice %arg5[%add3A_352, %dma_start3A_353] : memref<50x128xi32, #tpu.memory_space<vmem>> -> memref<1x128xi32, #tpu.memory_space<vmem>>
      %dma_start3A_355 = tpu.memref_squeeze %dma_start3A_354 : memref<1x128xi32, #tpu.memory_space<vmem>> -> memref<128xi32, #tpu.memory_space<vmem>>
      %dma_start3A_356 = arith.constant 0 : i32
      %dma_start3A_357 = arith.constant 0 : i32
      %dma_start3A_358 = tpu.memref_slice %arg2[%dma_start3A_356, %dma_start3A_357] : memref<100000x128xf32, #tpu.memory_space<hbm>> -> memref<100000x128xf32, #tpu.memory_space<hbm>>
      tpu.enqueue_indirect_dma source(%dma_start3A_358 : memref<100000x128xf32, #tpu.memory_space<hbm>>) target(%arg10 : memref<128x128xf32, #tpu.memory_space<vmem>>) offsets(%dma_start3A_355 : memref<128xi32, #tpu.memory_space<vmem>>) semaphore(%arg15 : memref<!tpu.dma_semaphore, #tpu.memory_space<semaphore_mem>>)
      %dma_wait3A_359 = arith.constant 0 : i32
      %dma_wait3A_360 = tpu.memref_slice %arg5[%add3A_341, %dma_wait3A_359] : memref<50x128xi32, #tpu.memory_space<vmem>> -> memref<1x128xi32, #tpu.memory_space<vmem>>
      %dma_wait3A_361 = tpu.memref_squeeze %dma_wait3A_360 : memref<1x128xi32, #tpu.memory_space<vmem>> -> memref<128xi32, #tpu.memory_space<vmem>>
      %dma_wait3A_362 = arith.constant 0 : i32
      %dma_wait3A_363 = arith.constant 0 : i32
      %dma_wait3A_364 = tpu.memref_slice %arg2[%dma_wait3A_362, %dma_wait3A_363] : memref<100000x128xf32, #tpu.memory_space<hbm>> -> memref<100000x128xf32, #tpu.memory_space<hbm>>
      tpu.wait_indirect_dma semaphore(%arg12 : memref<!tpu.dma_semaphore, #tpu.memory_space<semaphore_mem>>) src(%dma_wait3A_364 : memref<100000x128xf32, #tpu.memory_space<hbm>>) dst(%arg7 : memref<128x128xf32, #tpu.memory_space<vmem>>)
      %dma_start3A_365 = arith.constant 0 : i32
      %dma_start3A_366 = tpu.memref_slice %arg4[%add3A_341, %mul3A_2, %dma_start3A_365] : memref<50x4096x128xf32, #tpu.memory_space<hbm>> -> memref<1x128x128xf32, #tpu.memory_space<hbm>>
      %dma_start3A_367 = tpu.memref_squeeze %dma_start3A_366 : memref<1x128x128xf32, #tpu.memory_space<hbm>> -> memref<128x128xf32, #tpu.memory_space<hbm>>
      %dma_start3A_368 = arith.constant 0 : i32
      %dma_start3A_369 = tpu.memref_slice %arg4[%add3A_341, %mul3A_2, %dma_start3A_368] : memref<50x4096x128xf32, #tpu.memory_space<hbm>> -> memref<1x128x128xf32, #tpu.memory_space<hbm>>
      %dma_start3A_370 = tpu.memref_squeeze %dma_start3A_369 : memref<1x128x128xf32, #tpu.memory_space<hbm>> -> memref<128x128xf32, #tpu.memory_space<hbm>>
      tpu.enqueue_dma source(%arg7 : memref<128x128xf32, #tpu.memory_space<vmem>>) target(%dma_start3A_370 : memref<128x128xf32, #tpu.memory_space<hbm>>) target_semaphore(%arg17 : memref<!tpu.dma_semaphore, #tpu.memory_space<semaphore_mem>>)
      %add3A_371 = arith.constant 2 : i32
      %add3A_372 = arith.addi %mul3A_308, %add3A_371 : i32
      %dma_wait3A_373 = arith.constant 0 : i32
      %dma_wait3A_374 = arith.constant 0 : i32
      %dma_wait3A_375 = arith.constant 0 : i32
      %dma_wait3A_376 = tpu.memref_slice %arg4[%dma_wait3A_373, %dma_wait3A_374, %dma_wait3A_375] : memref<50x4096x128xf32, #tpu.memory_space<hbm>> -> memref<1x128x128xf32, #tpu.memory_space<hbm>>
      %dma_wait3A_377 = tpu.memref_squeeze %dma_wait3A_376 : memref<1x128x128xf32, #tpu.memory_space<hbm>> -> memref<128x128xf32, #tpu.memory_space<hbm>>
      %dma_wait3A_378 = arith.constant 0 : i32
      %dma_wait3A_379 = arith.constant 0 : i32
      %dma_wait3A_380 = tpu.memref_slice %arg4[%dma_wait3A_373, %dma_wait3A_378, %dma_wait3A_379] : memref<50x4096x128xf32, #tpu.memory_space<hbm>> -> memref<1x128x128xf32, #tpu.memory_space<hbm>>
      %dma_wait3A_381 = tpu.memref_squeeze %dma_wait3A_380 : memref<1x128x128xf32, #tpu.memory_space<hbm>> -> memref<128x128xf32, #tpu.memory_space<hbm>>
      tpu.wait_dma2 semaphore(%arg16 : memref<!tpu.dma_semaphore, #tpu.memory_space<semaphore_mem>>) src(%arg6 : memref<128x128xf32, #tpu.memory_space<vmem>>) dst(%dma_wait3A_381 : memref<128x128xf32, #tpu.memory_space<hbm>>)
      %add3A_382 = arith.constant 3 : i32
      %add3A_383 = arith.addi %add3A_372, %add3A_382 : i32
      %dma_start3A_384 = arith.constant 0 : i32
      %dma_start3A_385 = tpu.memref_slice %arg5[%add3A_383, %dma_start3A_384] : memref<50x128xi32, #tpu.memory_space<vmem>> -> memref<1x128xi32, #tpu.memory_space<vmem>>
      %dma_start3A_386 = tpu.memref_squeeze %dma_start3A_385 : memref<1x128xi32, #tpu.memory_space<vmem>> -> memref<128xi32, #tpu.memory_space<vmem>>
      %dma_start3A_387 = arith.constant 0 : i32
      %dma_start3A_388 = arith.constant 0 : i32
      %dma_start3A_389 = tpu.memref_slice %arg2[%dma_start3A_387, %dma_start3A_388] : memref<100000x128xf32, #tpu.memory_space<hbm>> -> memref<100000x128xf32, #tpu.memory_space<hbm>>
      tpu.enqueue_indirect_dma source(%dma_start3A_389 : memref<100000x128xf32, #tpu.memory_space<hbm>>) target(%arg6 : memref<128x128xf32, #tpu.memory_space<vmem>>) offsets(%dma_start3A_386 : memref<128xi32, #tpu.memory_space<vmem>>) semaphore(%arg11 : memref<!tpu.dma_semaphore, #tpu.memory_space<semaphore_mem>>)
      %dma_wait3A_390 = arith.constant 0 : i32
      %dma_wait3A_391 = tpu.memref_slice %arg5[%add3A_372, %dma_wait3A_390] : memref<50x128xi32, #tpu.memory_space<vmem>> -> memref<1x128xi32, #tpu.memory_space<vmem>>
      %dma_wait3A_392 = tpu.memref_squeeze %dma_wait3A_391 : memref<1x128xi32, #tpu.memory_space<vmem>> -> memref<128xi32, #tpu.memory_space<vmem>>
      %dma_wait3A_393 = arith.constant 0 : i32
      %dma_wait3A_394 = arith.constant 0 : i32
      %dma_wait3A_395 = tpu.memref_slice %arg2[%dma_wait3A_393, %dma_wait3A_394] : memref<100000x128xf32, #tpu.memory_space<hbm>> -> memref<100000x128xf32, #tpu.memory_space<hbm>>
      tpu.wait_indirect_dma semaphore(%arg13 : memref<!tpu.dma_semaphore, #tpu.memory_space<semaphore_mem>>) src(%dma_wait3A_395 : memref<100000x128xf32, #tpu.memory_space<hbm>>) dst(%arg8 : memref<128x128xf32, #tpu.memory_space<vmem>>)
      %dma_start3A_396 = arith.constant 0 : i32
      %dma_start3A_397 = tpu.memref_slice %arg4[%add3A_372, %mul3A_2, %dma_start3A_396] : memref<50x4096x128xf32, #tpu.memory_space<hbm>> -> memref<1x128x128xf32, #tpu.memory_space<hbm>>
      %dma_start3A_398 = tpu.memref_squeeze %dma_start3A_397 : memref<1x128x128xf32, #tpu.memory_space<hbm>> -> memref<128x128xf32, #tpu.memory_space<hbm>>
      %dma_start3A_399 = arith.constant 0 : i32
      %dma_start3A_400 = tpu.memref_slice %arg4[%add3A_372, %mul3A_2, %dma_start3A_399] : memref<50x4096x128xf32, #tpu.memory_space<hbm>> -> memref<1x128x128xf32, #tpu.memory_space<hbm>>
      %dma_start3A_401 = tpu.memref_squeeze %dma_start3A_400 : memref<1x128x128xf32, #tpu.memory_space<hbm>> -> memref<128x128xf32, #tpu.memory_space<hbm>>
      tpu.enqueue_dma source(%arg8 : memref<128x128xf32, #tpu.memory_space<vmem>>) target(%dma_start3A_401 : memref<128x128xf32, #tpu.memory_space<hbm>>) target_semaphore(%arg18 : memref<!tpu.dma_semaphore, #tpu.memory_space<semaphore_mem>>)
      %add3A_402 = arith.constant 3 : i32
      %add3A_403 = arith.addi %mul3A_308, %add3A_402 : i32
      %dma_wait3A_404 = arith.constant 0 : i32
      %dma_wait3A_405 = arith.constant 0 : i32
      %dma_wait3A_406 = arith.constant 0 : i32
      %dma_wait3A_407 = tpu.memref_slice %arg4[%dma_wait3A_404, %dma_wait3A_405, %dma_wait3A_406] : memref<50x4096x128xf32, #tpu.memory_space<hbm>> -> memref<1x128x128xf32, #tpu.memory_space<hbm>>
      %dma_wait3A_408 = tpu.memref_squeeze %dma_wait3A_407 : memref<1x128x128xf32, #tpu.memory_space<hbm>> -> memref<128x128xf32, #tpu.memory_space<hbm>>
      %dma_wait3A_409 = arith.constant 0 : i32
      %dma_wait3A_410 = arith.constant 0 : i32
      %dma_wait3A_411 = tpu.memref_slice %arg4[%dma_wait3A_404, %dma_wait3A_409, %dma_wait3A_410] : memref<50x4096x128xf32, #tpu.memory_space<hbm>> -> memref<1x128x128xf32, #tpu.memory_space<hbm>>
      %dma_wait3A_412 = tpu.memref_squeeze %dma_wait3A_411 : memref<1x128x128xf32, #tpu.memory_space<hbm>> -> memref<128x128xf32, #tpu.memory_space<hbm>>
      tpu.wait_dma2 semaphore(%arg17 : memref<!tpu.dma_semaphore, #tpu.memory_space<semaphore_mem>>) src(%arg7 : memref<128x128xf32, #tpu.memory_space<vmem>>) dst(%dma_wait3A_412 : memref<128x128xf32, #tpu.memory_space<hbm>>)
      %add3A_413 = arith.constant 3 : i32
      %add3A_414 = arith.addi %add3A_403, %add3A_413 : i32
      %dma_start3A_415 = arith.constant 0 : i32
      %dma_start3A_416 = tpu.memref_slice %arg5[%add3A_414, %dma_start3A_415] : memref<50x128xi32, #tpu.memory_space<vmem>> -> memref<1x128xi32, #tpu.memory_space<vmem>>
      %dma_start3A_417 = tpu.memref_squeeze %dma_start3A_416 : memref<1x128xi32, #tpu.memory_space<vmem>> -> memref<128xi32, #tpu.memory_space<vmem>>
      %dma_start3A_418 = arith.constant 0 : i32
      %dma_start3A_419 = arith.constant 0 : i32
      %dma_start3A_420 = tpu.memref_slice %arg2[%dma_start3A_418, %dma_start3A_419] : memref<100000x128xf32, #tpu.memory_space<hbm>> -> memref<100000x128xf32, #tpu.memory_space<hbm>>
      tpu.enqueue_indirect_dma source(%dma_start3A_420 : memref<100000x128xf32, #tpu.memory_space<hbm>>) target(%arg7 : memref<128x128xf32, #tpu.memory_space<vmem>>) offsets(%dma_start3A_417 : memref<128xi32, #tpu.memory_space<vmem>>) semaphore(%arg12 : memref<!tpu.dma_semaphore, #tpu.memory_space<semaphore_mem>>)
      %dma_wait3A_421 = arith.constant 0 : i32
      %dma_wait3A_422 = tpu.memref_slice %arg5[%add3A_403, %dma_wait3A_421] : memref<50x128xi32, #tpu.memory_space<vmem>> -> memref<1x128xi32, #tpu.memory_space<vmem>>
      %dma_wait3A_423 = tpu.memref_squeeze %dma_wait3A_422 : memref<1x128xi32, #tpu.memory_space<vmem>> -> memref<128xi32, #tpu.memory_space<vmem>>
      %dma_wait3A_424 = arith.constant 0 : i32
      %dma_wait3A_425 = arith.constant 0 : i32
      %dma_wait3A_426 = tpu.memref_slice %arg2[%dma_wait3A_424, %dma_wait3A_425] : memref<100000x128xf32, #tpu.memory_space<hbm>> -> memref<100000x128xf32, #tpu.memory_space<hbm>>
      tpu.wait_indirect_dma semaphore(%arg14 : memref<!tpu.dma_semaphore, #tpu.memory_space<semaphore_mem>>) src(%dma_wait3A_426 : memref<100000x128xf32, #tpu.memory_space<hbm>>) dst(%arg9 : memref<128x128xf32, #tpu.memory_space<vmem>>)
      %dma_start3A_427 = arith.constant 0 : i32
      %dma_start3A_428 = tpu.memref_slice %arg4[%add3A_403, %mul3A_2, %dma_start3A_427] : memref<50x4096x128xf32, #tpu.memory_space<hbm>> -> memref<1x128x128xf32, #tpu.memory_space<hbm>>
      %dma_start3A_429 = tpu.memref_squeeze %dma_start3A_428 : memref<1x128x128xf32, #tpu.memory_space<hbm>> -> memref<128x128xf32, #tpu.memory_space<hbm>>
      %dma_start3A_430 = arith.constant 0 : i32
      %dma_start3A_431 = tpu.memref_slice %arg4[%add3A_403, %mul3A_2, %dma_start3A_430] : memref<50x4096x128xf32, #tpu.memory_space<hbm>> -> memref<1x128x128xf32, #tpu.memory_space<hbm>>
      %dma_start3A_432 = tpu.memref_squeeze %dma_start3A_431 : memref<1x128x128xf32, #tpu.memory_space<hbm>> -> memref<128x128xf32, #tpu.memory_space<hbm>>
      tpu.enqueue_dma source(%arg9 : memref<128x128xf32, #tpu.memory_space<vmem>>) target(%dma_start3A_432 : memref<128x128xf32, #tpu.memory_space<hbm>>) target_semaphore(%arg19 : memref<!tpu.dma_semaphore, #tpu.memory_space<semaphore_mem>>)
      %add3A_433 = arith.constant 4 : i32
      %add3A_434 = arith.addi %mul3A_308, %add3A_433 : i32
      %dma_wait3A_435 = arith.constant 0 : i32
      %dma_wait3A_436 = arith.constant 0 : i32
      %dma_wait3A_437 = arith.constant 0 : i32
      %dma_wait3A_438 = tpu.memref_slice %arg4[%dma_wait3A_435, %dma_wait3A_436, %dma_wait3A_437] : memref<50x4096x128xf32, #tpu.memory_space<hbm>> -> memref<1x128x128xf32, #tpu.memory_space<hbm>>
      %dma_wait3A_439 = tpu.memref_squeeze %dma_wait3A_438 : memref<1x128x128xf32, #tpu.memory_space<hbm>> -> memref<128x128xf32, #tpu.memory_space<hbm>>
      %dma_wait3A_440 = arith.constant 0 : i32
      %dma_wait3A_441 = arith.constant 0 : i32
      %dma_wait3A_442 = tpu.memref_slice %arg4[%dma_wait3A_435, %dma_wait3A_440, %dma_wait3A_441] : memref<50x4096x128xf32, #tpu.memory_space<hbm>> -> memref<1x128x128xf32, #tpu.memory_space<hbm>>
      %dma_wait3A_443 = tpu.memref_squeeze %dma_wait3A_442 : memref<1x128x128xf32, #tpu.memory_space<hbm>> -> memref<128x128xf32, #tpu.memory_space<hbm>>
      tpu.wait_dma2 semaphore(%arg18 : memref<!tpu.dma_semaphore, #tpu.memory_space<semaphore_mem>>) src(%arg8 : memref<128x128xf32, #tpu.memory_space<vmem>>) dst(%dma_wait3A_443 : memref<128x128xf32, #tpu.memory_space<hbm>>)
      %add3A_444 = arith.constant 3 : i32
      %add3A_445 = arith.addi %add3A_434, %add3A_444 : i32
      %dma_start3A_446 = arith.constant 0 : i32
      %dma_start3A_447 = tpu.memref_slice %arg5[%add3A_445, %dma_start3A_446] : memref<50x128xi32, #tpu.memory_space<vmem>> -> memref<1x128xi32, #tpu.memory_space<vmem>>
      %dma_start3A_448 = tpu.memref_squeeze %dma_start3A_447 : memref<1x128xi32, #tpu.memory_space<vmem>> -> memref<128xi32, #tpu.memory_space<vmem>>
      %dma_start3A_449 = arith.constant 0 : i32
      %dma_start3A_450 = arith.constant 0 : i32
      %dma_start3A_451 = tpu.memref_slice %arg2[%dma_start3A_449, %dma_start3A_450] : memref<100000x128xf32, #tpu.memory_space<hbm>> -> memref<100000x128xf32, #tpu.memory_space<hbm>>
      tpu.enqueue_indirect_dma source(%dma_start3A_451 : memref<100000x128xf32, #tpu.memory_space<hbm>>) target(%arg8 : memref<128x128xf32, #tpu.memory_space<vmem>>) offsets(%dma_start3A_448 : memref<128xi32, #tpu.memory_space<vmem>>) semaphore(%arg13 : memref<!tpu.dma_semaphore, #tpu.memory_space<semaphore_mem>>)
      %dma_wait3A_452 = arith.constant 0 : i32
      %dma_wait3A_453 = tpu.memref_slice %arg5[%add3A_434, %dma_wait3A_452] : memref<50x128xi32, #tpu.memory_space<vmem>> -> memref<1x128xi32, #tpu.memory_space<vmem>>
      %dma_wait3A_454 = tpu.memref_squeeze %dma_wait3A_453 : memref<1x128xi32, #tpu.memory_space<vmem>> -> memref<128xi32, #tpu.memory_space<vmem>>
      %dma_wait3A_455 = arith.constant 0 : i32
      %dma_wait3A_456 = arith.constant 0 : i32
      %dma_wait3A_457 = tpu.memref_slice %arg2[%dma_wait3A_455, %dma_wait3A_456] : memref<100000x128xf32, #tpu.memory_space<hbm>> -> memref<100000x128xf32, #tpu.memory_space<hbm>>
      tpu.wait_indirect_dma semaphore(%arg15 : memref<!tpu.dma_semaphore, #tpu.memory_space<semaphore_mem>>) src(%dma_wait3A_457 : memref<100000x128xf32, #tpu.memory_space<hbm>>) dst(%arg10 : memref<128x128xf32, #tpu.memory_space<vmem>>)
      %dma_start3A_458 = arith.constant 0 : i32
      %dma_start3A_459 = tpu.memref_slice %arg4[%add3A_434, %mul3A_2, %dma_start3A_458] : memref<50x4096x128xf32, #tpu.memory_space<hbm>> -> memref<1x128x128xf32, #tpu.memory_space<hbm>>
      %dma_start3A_460 = tpu.memref_squeeze %dma_start3A_459 : memref<1x128x128xf32, #tpu.memory_space<hbm>> -> memref<128x128xf32, #tpu.memory_space<hbm>>
      %dma_start3A_461 = arith.constant 0 : i32
      %dma_start3A_462 = tpu.memref_slice %arg4[%add3A_434, %mul3A_2, %dma_start3A_461] : memref<50x4096x128xf32, #tpu.memory_space<hbm>> -> memref<1x128x128xf32, #tpu.memory_space<hbm>>
      %dma_start3A_463 = tpu.memref_squeeze %dma_start3A_462 : memref<1x128x128xf32, #tpu.memory_space<hbm>> -> memref<128x128xf32, #tpu.memory_space<hbm>>
      tpu.enqueue_dma source(%arg10 : memref<128x128xf32, #tpu.memory_space<vmem>>) target(%dma_start3A_463 : memref<128x128xf32, #tpu.memory_space<hbm>>) target_semaphore(%arg20 : memref<!tpu.dma_semaphore, #tpu.memory_space<semaphore_mem>>)
    }
    %scan3A_158 = arith.constant 8 : i32
    %dma_wait3A_159 = arith.constant 0 : i32
    %dma_wait3A_160 = arith.constant 0 : i32
    %dma_wait3A_161 = arith.constant 0 : i32
    %dma_wait3A_162 = tpu.memref_slice %arg4[%dma_wait3A_159, %dma_wait3A_160, %dma_wait3A_161] : memref<50x4096x128xf32, #tpu.memory_space<hbm>> -> memref<1x128x128xf32, #tpu.memory_space<hbm>>
    %dma_wait3A_163 = tpu.memref_squeeze %dma_wait3A_162 : memref<1x128x128xf32, #tpu.memory_space<hbm>> -> memref<128x128xf32, #tpu.memory_space<hbm>>
    %dma_wait3A_164 = arith.constant 0 : i32
    %dma_wait3A_165 = arith.constant 0 : i32
    %dma_wait3A_166 = tpu.memref_slice %arg4[%dma_wait3A_159, %dma_wait3A_164, %dma_wait3A_165] : memref<50x4096x128xf32, #tpu.memory_space<hbm>> -> memref<1x128x128xf32, #tpu.memory_space<hbm>>
    %dma_wait3A_167 = tpu.memref_squeeze %dma_wait3A_166 : memref<1x128x128xf32, #tpu.memory_space<hbm>> -> memref<128x128xf32, #tpu.memory_space<hbm>>
    tpu.wait_dma2 semaphore(%arg19 : memref<!tpu.dma_semaphore, #tpu.memory_space<semaphore_mem>>) src(%arg9 : memref<128x128xf32, #tpu.memory_space<vmem>>) dst(%dma_wait3A_167 : memref<128x128xf32, #tpu.memory_space<hbm>>)
    %dma_start3A_168 = arith.constant 48 : i32
    %dma_start3A_169 = arith.constant 0 : i32
    %dma_start3A_170 = tpu.memref_slice %arg5[%dma_start3A_168, %dma_start3A_169] : memref<50x128xi32, #tpu.memory_space<vmem>> -> memref<1x128xi32, #tpu.memory_space<vmem>>
    %dma_start3A_171 = tpu.memref_squeeze %dma_start3A_170 : memref<1x128xi32, #tpu.memory_space<vmem>> -> memref<128xi32, #tpu.memory_space<vmem>>
    %dma_start3A_172 = arith.constant 0 : i32
    %dma_start3A_173 = arith.constant 0 : i32
    %dma_start3A_174 = tpu.memref_slice %arg2[%dma_start3A_172, %dma_start3A_173] : memref<100000x128xf32, #tpu.memory_space<hbm>> -> memref<100000x128xf32, #tpu.memory_space<hbm>>
    tpu.enqueue_indirect_dma source(%dma_start3A_174 : memref<100000x128xf32, #tpu.memory_space<hbm>>) target(%arg9 : memref<128x128xf32, #tpu.memory_space<vmem>>) offsets(%dma_start3A_171 : memref<128xi32, #tpu.memory_space<vmem>>) semaphore(%arg14 : memref<!tpu.dma_semaphore, #tpu.memory_space<semaphore_mem>>)
    %dma_wait3A_175 = arith.constant 45 : i32
    %dma_wait3A_176 = arith.constant 0 : i32
    %dma_wait3A_177 = tpu.memref_slice %arg5[%dma_wait3A_175, %dma_wait3A_176] : memref<50x128xi32, #tpu.memory_space<vmem>> -> memref<1x128xi32, #tpu.memory_space<vmem>>
    %dma_wait3A_178 = tpu.memref_squeeze %dma_wait3A_177 : memref<1x128xi32, #tpu.memory_space<vmem>> -> memref<128xi32, #tpu.memory_space<vmem>>
    %dma_wait3A_179 = arith.constant 0 : i32
    %dma_wait3A_180 = arith.constant 0 : i32
    %dma_wait3A_181 = tpu.memref_slice %arg2[%dma_wait3A_179, %dma_wait3A_180] : memref<100000x128xf32, #tpu.memory_space<hbm>> -> memref<100000x128xf32, #tpu.memory_space<hbm>>
    tpu.wait_indirect_dma semaphore(%arg11 : memref<!tpu.dma_semaphore, #tpu.memory_space<semaphore_mem>>) src(%dma_wait3A_181 : memref<100000x128xf32, #tpu.memory_space<hbm>>) dst(%arg6 : memref<128x128xf32, #tpu.memory_space<vmem>>)
    %dma_start3A_182 = arith.constant 45 : i32
    %dma_start3A_183 = arith.constant 0 : i32
    %dma_start3A_184 = tpu.memref_slice %arg4[%dma_start3A_182, %mul3A_2, %dma_start3A_183] : memref<50x4096x128xf32, #tpu.memory_space<hbm>> -> memref<1x128x128xf32, #tpu.memory_space<hbm>>
    %dma_start3A_185 = tpu.memref_squeeze %dma_start3A_184 : memref<1x128x128xf32, #tpu.memory_space<hbm>> -> memref<128x128xf32, #tpu.memory_space<hbm>>
    %dma_start3A_186 = arith.constant 0 : i32
    %dma_start3A_187 = tpu.memref_slice %arg4[%dma_start3A_182, %mul3A_2, %dma_start3A_186] : memref<50x4096x128xf32, #tpu.memory_space<hbm>> -> memref<1x128x128xf32, #tpu.memory_space<hbm>>
    %dma_start3A_188 = tpu.memref_squeeze %dma_start3A_187 : memref<1x128x128xf32, #tpu.memory_space<hbm>> -> memref<128x128xf32, #tpu.memory_space<hbm>>
    tpu.enqueue_dma source(%arg6 : memref<128x128xf32, #tpu.memory_space<vmem>>) target(%dma_start3A_188 : memref<128x128xf32, #tpu.memory_space<hbm>>) target_semaphore(%arg16 : memref<!tpu.dma_semaphore, #tpu.memory_space<semaphore_mem>>)
    %dma_wait3A_189 = arith.constant 0 : i32
    %dma_wait3A_190 = arith.constant 0 : i32
    %dma_wait3A_191 = arith.constant 0 : i32
    %dma_wait3A_192 = tpu.memref_slice %arg4[%dma_wait3A_189, %dma_wait3A_190, %dma_wait3A_191] : memref<50x4096x128xf32, #tpu.memory_space<hbm>> -> memref<1x128x128xf32, #tpu.memory_space<hbm>>
    %dma_wait3A_193 = tpu.memref_squeeze %dma_wait3A_192 : memref<1x128x128xf32, #tpu.memory_space<hbm>> -> memref<128x128xf32, #tpu.memory_space<hbm>>
    %dma_wait3A_194 = arith.constant 0 : i32
    %dma_wait3A_195 = arith.constant 0 : i32
    %dma_wait3A_196 = tpu.memref_slice %arg4[%dma_wait3A_189, %dma_wait3A_194, %dma_wait3A_195] : memref<50x4096x128xf32, #tpu.memory_space<hbm>> -> memref<1x128x128xf32, #tpu.memory_space<hbm>>
    %dma_wait3A_197 = tpu.memref_squeeze %dma_wait3A_196 : memref<1x128x128xf32, #tpu.memory_space<hbm>> -> memref<128x128xf32, #tpu.memory_space<hbm>>
    tpu.wait_dma2 semaphore(%arg20 : memref<!tpu.dma_semaphore, #tpu.memory_space<semaphore_mem>>) src(%arg10 : memref<128x128xf32, #tpu.memory_space<vmem>>) dst(%dma_wait3A_197 : memref<128x128xf32, #tpu.memory_space<hbm>>)
    %dma_start3A_198 = arith.constant 49 : i32
    %dma_start3A_199 = arith.constant 0 : i32
    %dma_start3A_200 = tpu.memref_slice %arg5[%dma_start3A_198, %dma_start3A_199] : memref<50x128xi32, #tpu.memory_space<vmem>> -> memref<1x128xi32, #tpu.memory_space<vmem>>
    %dma_start3A_201 = tpu.memref_squeeze %dma_start3A_200 : memref<1x128xi32, #tpu.memory_space<vmem>> -> memref<128xi32, #tpu.memory_space<vmem>>
    %dma_start3A_202 = arith.constant 0 : i32
    %dma_start3A_203 = arith.constant 0 : i32
    %dma_start3A_204 = tpu.memref_slice %arg2[%dma_start3A_202, %dma_start3A_203] : memref<100000x128xf32, #tpu.memory_space<hbm>> -> memref<100000x128xf32, #tpu.memory_space<hbm>>
    tpu.enqueue_indirect_dma source(%dma_start3A_204 : memref<100000x128xf32, #tpu.memory_space<hbm>>) target(%arg10 : memref<128x128xf32, #tpu.memory_space<vmem>>) offsets(%dma_start3A_201 : memref<128xi32, #tpu.memory_space<vmem>>) semaphore(%arg15 : memref<!tpu.dma_semaphore, #tpu.memory_space<semaphore_mem>>)
    %dma_wait3A_205 = arith.constant 46 : i32
    %dma_wait3A_206 = arith.constant 0 : i32
    %dma_wait3A_207 = tpu.memref_slice %arg5[%dma_wait3A_205, %dma_wait3A_206] : memref<50x128xi32, #tpu.memory_space<vmem>> -> memref<1x128xi32, #tpu.memory_space<vmem>>
    %dma_wait3A_208 = tpu.memref_squeeze %dma_wait3A_207 : memref<1x128xi32, #tpu.memory_space<vmem>> -> memref<128xi32, #tpu.memory_space<vmem>>
    %dma_wait3A_209 = arith.constant 0 : i32
    %dma_wait3A_210 = arith.constant 0 : i32
    %dma_wait3A_211 = tpu.memref_slice %arg2[%dma_wait3A_209, %dma_wait3A_210] : memref<100000x128xf32, #tpu.memory_space<hbm>> -> memref<100000x128xf32, #tpu.memory_space<hbm>>
    tpu.wait_indirect_dma semaphore(%arg12 : memref<!tpu.dma_semaphore, #tpu.memory_space<semaphore_mem>>) src(%dma_wait3A_211 : memref<100000x128xf32, #tpu.memory_space<hbm>>) dst(%arg7 : memref<128x128xf32, #tpu.memory_space<vmem>>)
    %dma_start3A_212 = arith.constant 46 : i32
    %dma_start3A_213 = arith.constant 0 : i32
    %dma_start3A_214 = tpu.memref_slice %arg4[%dma_start3A_212, %mul3A_2, %dma_start3A_213] : memref<50x4096x128xf32, #tpu.memory_space<hbm>> -> memref<1x128x128xf32, #tpu.memory_space<hbm>>
    %dma_start3A_215 = tpu.memref_squeeze %dma_start3A_214 : memref<1x128x128xf32, #tpu.memory_space<hbm>> -> memref<128x128xf32, #tpu.memory_space<hbm>>
    %dma_start3A_216 = arith.constant 0 : i32
    %dma_start3A_217 = tpu.memref_slice %arg4[%dma_start3A_212, %mul3A_2, %dma_start3A_216] : memref<50x4096x128xf32, #tpu.memory_space<hbm>> -> memref<1x128x128xf32, #tpu.memory_space<hbm>>
    %dma_start3A_218 = tpu.memref_squeeze %dma_start3A_217 : memref<1x128x128xf32, #tpu.memory_space<hbm>> -> memref<128x128xf32, #tpu.memory_space<hbm>>
    tpu.enqueue_dma source(%arg7 : memref<128x128xf32, #tpu.memory_space<vmem>>) target(%dma_start3A_218 : memref<128x128xf32, #tpu.memory_space<hbm>>) target_semaphore(%arg17 : memref<!tpu.dma_semaphore, #tpu.memory_space<semaphore_mem>>)
    %dma_wait3A_219 = arith.constant 47 : i32
    %dma_wait3A_220 = arith.constant 0 : i32
    %dma_wait3A_221 = tpu.memref_slice %arg5[%dma_wait3A_219, %dma_wait3A_220] : memref<50x128xi32, #tpu.memory_space<vmem>> -> memref<1x128xi32, #tpu.memory_space<vmem>>
    %dma_wait3A_222 = tpu.memref_squeeze %dma_wait3A_221 : memref<1x128xi32, #tpu.memory_space<vmem>> -> memref<128xi32, #tpu.memory_space<vmem>>
    %dma_wait3A_223 = arith.constant 0 : i32
    %dma_wait3A_224 = arith.constant 0 : i32
    %dma_wait3A_225 = tpu.memref_slice %arg2[%dma_wait3A_223, %dma_wait3A_224] : memref<100000x128xf32, #tpu.memory_space<hbm>> -> memref<100000x128xf32, #tpu.memory_space<hbm>>
    tpu.wait_indirect_dma semaphore(%arg13 : memref<!tpu.dma_semaphore, #tpu.memory_space<semaphore_mem>>) src(%dma_wait3A_225 : memref<100000x128xf32, #tpu.memory_space<hbm>>) dst(%arg8 : memref<128x128xf32, #tpu.memory_space<vmem>>)
    %dma_start3A_226 = arith.constant 47 : i32
    %dma_start3A_227 = arith.constant 0 : i32
    %dma_start3A_228 = tpu.memref_slice %arg4[%dma_start3A_226, %mul3A_2, %dma_start3A_227] : memref<50x4096x128xf32, #tpu.memory_space<hbm>> -> memref<1x128x128xf32, #tpu.memory_space<hbm>>
    %dma_start3A_229 = tpu.memref_squeeze %dma_start3A_228 : memref<1x128x128xf32, #tpu.memory_space<hbm>> -> memref<128x128xf32, #tpu.memory_space<hbm>>
    %dma_start3A_230 = arith.constant 0 : i32
    %dma_start3A_231 = tpu.memref_slice %arg4[%dma_start3A_226, %mul3A_2, %dma_start3A_230] : memref<50x4096x128xf32, #tpu.memory_space<hbm>> -> memref<1x128x128xf32, #tpu.memory_space<hbm>>
    %dma_start3A_232 = tpu.memref_squeeze %dma_start3A_231 : memref<1x128x128xf32, #tpu.memory_space<hbm>> -> memref<128x128xf32, #tpu.memory_space<hbm>>
    tpu.enqueue_dma source(%arg8 : memref<128x128xf32, #tpu.memory_space<vmem>>) target(%dma_start3A_232 : memref<128x128xf32, #tpu.memory_space<hbm>>) target_semaphore(%arg18 : memref<!tpu.dma_semaphore, #tpu.memory_space<semaphore_mem>>)
    %dma_wait3A_233 = arith.constant 48 : i32
    %dma_wait3A_234 = arith.constant 0 : i32
    %dma_wait3A_235 = tpu.memref_slice %arg5[%dma_wait3A_233, %dma_wait3A_234] : memref<50x128xi32, #tpu.memory_space<vmem>> -> memref<1x128xi32, #tpu.memory_space<vmem>>
    %dma_wait3A_236 = tpu.memref_squeeze %dma_wait3A_235 : memref<1x128xi32, #tpu.memory_space<vmem>> -> memref<128xi32, #tpu.memory_space<vmem>>
    %dma_wait3A_237 = arith.constant 0 : i32
    %dma_wait3A_238 = arith.constant 0 : i32
    %dma_wait3A_239 = tpu.memref_slice %arg2[%dma_wait3A_237, %dma_wait3A_238] : memref<100000x128xf32, #tpu.memory_space<hbm>> -> memref<100000x128xf32, #tpu.memory_space<hbm>>
    tpu.wait_indirect_dma semaphore(%arg14 : memref<!tpu.dma_semaphore, #tpu.memory_space<semaphore_mem>>) src(%dma_wait3A_239 : memref<100000x128xf32, #tpu.memory_space<hbm>>) dst(%arg9 : memref<128x128xf32, #tpu.memory_space<vmem>>)
    %dma_start3A_240 = arith.constant 48 : i32
    %dma_start3A_241 = arith.constant 0 : i32
    %dma_start3A_242 = tpu.memref_slice %arg4[%dma_start3A_240, %mul3A_2, %dma_start3A_241] : memref<50x4096x128xf32, #tpu.memory_space<hbm>> -> memref<1x128x128xf32, #tpu.memory_space<hbm>>
    %dma_start3A_243 = tpu.memref_squeeze %dma_start3A_242 : memref<1x128x128xf32, #tpu.memory_space<hbm>> -> memref<128x128xf32, #tpu.memory_space<hbm>>
    %dma_start3A_244 = arith.constant 0 : i32
    %dma_start3A_245 = tpu.memref_slice %arg4[%dma_start3A_240, %mul3A_2, %dma_start3A_244] : memref<50x4096x128xf32, #tpu.memory_space<hbm>> -> memref<1x128x128xf32, #tpu.memory_space<hbm>>
    %dma_start3A_246 = tpu.memref_squeeze %dma_start3A_245 : memref<1x128x128xf32, #tpu.memory_space<hbm>> -> memref<128x128xf32, #tpu.memory_space<hbm>>
    tpu.enqueue_dma source(%arg9 : memref<128x128xf32, #tpu.memory_space<vmem>>) target(%dma_start3A_246 : memref<128x128xf32, #tpu.memory_space<hbm>>) target_semaphore(%arg19 : memref<!tpu.dma_semaphore, #tpu.memory_space<semaphore_mem>>)
    %dma_wait3A_247 = arith.constant 49 : i32
    %dma_wait3A_248 = arith.constant 0 : i32
    %dma_wait3A_249 = tpu.memref_slice %arg5[%dma_wait3A_247, %dma_wait3A_248] : memref<50x128xi32, #tpu.memory_space<vmem>> -> memref<1x128xi32, #tpu.memory_space<vmem>>
    %dma_wait3A_250 = tpu.memref_squeeze %dma_wait3A_249 : memref<1x128xi32, #tpu.memory_space<vmem>> -> memref<128xi32, #tpu.memory_space<vmem>>
    %dma_wait3A_251 = arith.constant 0 : i32
    %dma_wait3A_252 = arith.constant 0 : i32
    %dma_wait3A_253 = tpu.memref_slice %arg2[%dma_wait3A_251, %dma_wait3A_252] : memref<100000x128xf32, #tpu.memory_space<hbm>> -> memref<100000x128xf32, #tpu.memory_space<hbm>>
    tpu.wait_indirect_dma semaphore(%arg15 : memref<!tpu.dma_semaphore, #tpu.memory_space<semaphore_mem>>) src(%dma_wait3A_253 : memref<100000x128xf32, #tpu.memory_space<hbm>>) dst(%arg10 : memref<128x128xf32, #tpu.memory_space<vmem>>)
    %dma_start3A_254 = arith.constant 49 : i32
    %dma_start3A_255 = arith.constant 0 : i32
    %dma_start3A_256 = tpu.memref_slice %arg4[%dma_start3A_254, %mul3A_2, %dma_start3A_255] : memref<50x4096x128xf32, #tpu.memory_space<hbm>> -> memref<1x128x128xf32, #tpu.memory_space<hbm>>
    %dma_start3A_257 = tpu.memref_squeeze %dma_start3A_256 : memref<1x128x128xf32, #tpu.memory_space<hbm>> -> memref<128x128xf32, #tpu.memory_space<hbm>>
    %dma_start3A_258 = arith.constant 0 : i32
    %dma_start3A_259 = tpu.memref_slice %arg4[%dma_start3A_254, %mul3A_2, %dma_start3A_258] : memref<50x4096x128xf32, #tpu.memory_space<hbm>> -> memref<1x128x128xf32, #tpu.memory_space<hbm>>
    %dma_start3A_260 = tpu.memref_squeeze %dma_start3A_259 : memref<1x128x128xf32, #tpu.memory_space<hbm>> -> memref<128x128xf32, #tpu.memory_space<hbm>>
    tpu.enqueue_dma source(%arg10 : memref<128x128xf32, #tpu.memory_space<vmem>>) target(%dma_start3A_260 : memref<128x128xf32, #tpu.memory_space<hbm>>) target_semaphore(%arg20 : memref<!tpu.dma_semaphore, #tpu.memory_space<semaphore_mem>>)
    %dma_wait3A_261 = arith.constant 0 : i32
    %dma_wait3A_262 = arith.constant 0 : i32
    %dma_wait3A_263 = arith.constant 0 : i32
    %dma_wait3A_264 = tpu.memref_slice %arg4[%dma_wait3A_261, %dma_wait3A_262, %dma_wait3A_263] : memref<50x4096x128xf32, #tpu.memory_space<hbm>> -> memref<1x128x128xf32, #tpu.memory_space<hbm>>
    %dma_wait3A_265 = tpu.memref_squeeze %dma_wait3A_264 : memref<1x128x128xf32, #tpu.memory_space<hbm>> -> memref<128x128xf32, #tpu.memory_space<hbm>>
    %dma_wait3A_266 = arith.constant 0 : i32
    %dma_wait3A_267 = arith.constant 0 : i32
    %dma_wait3A_268 = tpu.memref_slice %arg4[%dma_wait3A_261, %dma_wait3A_266, %dma_wait3A_267] : memref<50x4096x128xf32, #tpu.memory_space<hbm>> -> memref<1x128x128xf32, #tpu.memory_space<hbm>>
    %dma_wait3A_269 = tpu.memref_squeeze %dma_wait3A_268 : memref<1x128x128xf32, #tpu.memory_space<hbm>> -> memref<128x128xf32, #tpu.memory_space<hbm>>
    tpu.wait_dma2 semaphore(%arg16 : memref<!tpu.dma_semaphore, #tpu.memory_space<semaphore_mem>>) src(%arg6 : memref<128x128xf32, #tpu.memory_space<vmem>>) dst(%dma_wait3A_269 : memref<128x128xf32, #tpu.memory_space<hbm>>)
    %dma_wait3A_270 = arith.constant 0 : i32
    %dma_wait3A_271 = arith.constant 0 : i32
    %dma_wait3A_272 = arith.constant 0 : i32
    %dma_wait3A_273 = tpu.memref_slice %arg4[%dma_wait3A_270, %dma_wait3A_271, %dma_wait3A_272] : memref<50x4096x128xf32, #tpu.memory_space<hbm>> -> memref<1x128x128xf32, #tpu.memory_space<hbm>>
    %dma_wait3A_274 = tpu.memref_squeeze %dma_wait3A_273 : memref<1x128x128xf32, #tpu.memory_space<hbm>> -> memref<128x128xf32, #tpu.memory_space<hbm>>
    %dma_wait3A_275 = arith.constant 0 : i32
    %dma_wait3A_276 = arith.constant 0 : i32
    %dma_wait3A_277 = tpu.memref_slice %arg4[%dma_wait3A_270, %dma_wait3A_275, %dma_wait3A_276] : memref<50x4096x128xf32, #tpu.memory_space<hbm>> -> memref<1x128x128xf32, #tpu.memory_space<hbm>>
    %dma_wait3A_278 = tpu.memref_squeeze %dma_wait3A_277 : memref<1x128x128xf32, #tpu.memory_space<hbm>> -> memref<128x128xf32, #tpu.memory_space<hbm>>
    tpu.wait_dma2 semaphore(%arg17 : memref<!tpu.dma_semaphore, #tpu.memory_space<semaphore_mem>>) src(%arg7 : memref<128x128xf32, #tpu.memory_space<vmem>>) dst(%dma_wait3A_278 : memref<128x128xf32, #tpu.memory_space<hbm>>)
    %dma_wait3A_279 = arith.constant 0 : i32
    %dma_wait3A_280 = arith.constant 0 : i32
    %dma_wait3A_281 = arith.constant 0 : i32
    %dma_wait3A_282 = tpu.memref_slice %arg4[%dma_wait3A_279, %dma_wait3A_280, %dma_wait3A_281] : memref<50x4096x128xf32, #tpu.memory_space<hbm>> -> memref<1x128x128xf32, #tpu.memory_space<hbm>>
    %dma_wait3A_283 = tpu.memref_squeeze %dma_wait3A_282 : memref<1x128x128xf32, #tpu.memory_space<hbm>> -> memref<128x128xf32, #tpu.memory_space<hbm>>
    %dma_wait3A_284 = arith.constant 0 : i32
    %dma_wait3A_285 = arith.constant 0 : i32
    %dma_wait3A_286 = tpu.memref_slice %arg4[%dma_wait3A_279, %dma_wait3A_284, %dma_wait3A_285] : memref<50x4096x128xf32, #tpu.memory_space<hbm>> -> memref<1x128x128xf32, #tpu.memory_space<hbm>>
    %dma_wait3A_287 = tpu.memref_squeeze %dma_wait3A_286 : memref<1x128x128xf32, #tpu.memory_space<hbm>> -> memref<128x128xf32, #tpu.memory_space<hbm>>
    tpu.wait_dma2 semaphore(%arg18 : memref<!tpu.dma_semaphore, #tpu.memory_space<semaphore_mem>>) src(%arg8 : memref<128x128xf32, #tpu.memory_space<vmem>>) dst(%dma_wait3A_287 : memref<128x128xf32, #tpu.memory_space<hbm>>)
    %dma_wait3A_288 = arith.constant 0 : i32
    %dma_wait3A_289 = arith.constant 0 : i32
    %dma_wait3A_290 = arith.constant 0 : i32
    %dma_wait3A_291 = tpu.memref_slice %arg4[%dma_wait3A_288, %dma_wait3A_289, %dma_wait3A_290] : memref<50x4096x128xf32, #tpu.memory_space<hbm>> -> memref<1x128x128xf32, #tpu.memory_space<hbm>>
    %dma_wait3A_292 = tpu.memref_squeeze %dma_wait3A_291 : memref<1x128x128xf32, #tpu.memory_space<hbm>> -> memref<128x128xf32, #tpu.memory_space<hbm>>
    %dma_wait3A_293 = arith.constant 0 : i32
    %dma_wait3A_294 = arith.constant 0 : i32
    %dma_wait3A_295 = tpu.memref_slice %arg4[%dma_wait3A_288, %dma_wait3A_293, %dma_wait3A_294] : memref<50x4096x128xf32, #tpu.memory_space<hbm>> -> memref<1x128x128xf32, #tpu.memory_space<hbm>>
    %dma_wait3A_296 = tpu.memref_squeeze %dma_wait3A_295 : memref<1x128x128xf32, #tpu.memory_space<hbm>> -> memref<128x128xf32, #tpu.memory_space<hbm>>
    tpu.wait_dma2 semaphore(%arg19 : memref<!tpu.dma_semaphore, #tpu.memory_space<semaphore_mem>>) src(%arg9 : memref<128x128xf32, #tpu.memory_space<vmem>>) dst(%dma_wait3A_296 : memref<128x128xf32, #tpu.memory_space<hbm>>)
    %dma_wait3A_297 = arith.constant 0 : i32
    %dma_wait3A_298 = arith.constant 0 : i32
    %dma_wait3A_299 = arith.constant 0 : i32
    %dma_wait3A_300 = tpu.memref_slice %arg4[%dma_wait3A_297, %dma_wait3A_298, %dma_wait3A_299] : memref<50x4096x128xf32, #tpu.memory_space<hbm>> -> memref<1x128x128xf32, #tpu.memory_space<hbm>>
    %dma_wait3A_301 = tpu.memref_squeeze %dma_wait3A_300 : memref<1x128x128xf32, #tpu.memory_space<hbm>> -> memref<128x128xf32, #tpu.memory_space<hbm>>
    %dma_wait3A_302 = arith.constant 0 : i32
    %dma_wait3A_303 = arith.constant 0 : i32
    %dma_wait3A_304 = tpu.memref_slice %arg4[%dma_wait3A_297, %dma_wait3A_302, %dma_wait3A_303] : memref<50x4096x128xf32, #tpu.memory_space<hbm>> -> memref<1x128x128xf32, #tpu.memory_space<hbm>>
    %dma_wait3A_305 = tpu.memref_squeeze %dma_wait3A_304 : memref<1x128x128xf32, #tpu.memory_space<hbm>> -> memref<128x128xf32, #tpu.memory_space<hbm>>
    tpu.wait_dma2 semaphore(%arg20 : memref<!tpu.dma_semaphore, #tpu.memory_space<semaphore_mem>>) src(%arg10 : memref<128x128xf32, #tpu.memory_space<vmem>>) dst(%dma_wait3A_305 : memref<128x128xf32, #tpu.memory_space<hbm>>)
    return
  }
}

module attributes {stable_mosaic.version = 14 : i64} {
  func.func @_tc_copy_body(%arg0: i32, %arg1: memref<4000x128xf32, #tpu.memory_space<vmem>>, %arg2: memref<4000x128xf32, #tpu.memory_space<vmem>>) attributes {dimension_semantics = [#tpu.dimension_semantics<arbitrary>], iteration_bounds = array<i64: 25>, scalar_prefetch = 0 : i64, scratch_operands = 0 : i64, tpu.core_type = #tpu.core_type<tc>, window_params = [{transform_indices = @transform_0, window_bounds = array<i64: 4000, 128>}, {transform_indices = @transform_1, window_bounds = array<i64: 4000, 128>}]} {
    %get3A = arith.constant 0 : index
    %get3A_0 = arith.constant 0 : index
    %get3A_1 = vector.load %arg1[%get3A, %get3A_0] : memref<4000x128xf32, #tpu.memory_space<vmem>>, vector<4000x128xf32>
    %swap3A = arith.constant 0 : index
    %swap3A_2 = arith.constant 0 : index
    %swap3A_3 = vector.load %arg2[%swap3A, %swap3A_2] : memref<4000x128xf32, #tpu.memory_space<vmem>>, vector<4000x128xf32>
    tpu.vector_store %arg2[%swap3A, %swap3A_2], %get3A_1 {strides = array<i32>} : memref<4000x128xf32, #tpu.memory_space<vmem>>, vector<4000x128xf32>,
    return
  }
  func.func @transform_0(%arg0: i32) -> (i32, i32) {
    %c0_i32 = arith.constant 0 : i32
    %c0_i32_0 = arith.constant 0 : i32
    return %arg0, %c0_i32 : i32, i32
  }
  func.func @transform_1(%arg0: i32) -> (i32, i32) {
    %c0_i32 = arith.constant 0 : i32
    %c0_i32_0 = arith.constant 0 : i32
    return %arg0, %c0_i32 : i32, i32
  }
}

</mosaic_0001>

<sc_bundles>
// kernel: kernel.4.cloned.1.call-start
scs
__scs_entry_jumppad:
0x0: {  	(pc) =	sbr.rel $0x88, $3  }
0x1: {  	(tag) =	ssettag $0x0;
	lr =	simm.s32 $0x1  }
0x2: {  	[smem:$0x3F9F] =	sst lr;
	_ =	strace $0xD0000000  }
0x3: {  	_ = 	snop  }
0x4: {  	_ = 	snop  }
0x5: {  	_ = 	snop  }
0x6: {  	_ = 	snop  }
0x7: {  	_ = 	snop  }
__scs_overlays_trampoline_lowered:
0x8: {  	[smem:$0x3FAE] =	sst s0  }
0x9: {  	[smem:$0x3FAF] =	sst s1  }
0xa: {  	[smem:$0x3FB0] =	sst s2  }
0xb: {  	[smem:$0x3FB1] =	sst s3  }
0xc: {  	[smem:$0x3FB2] =	sst s4  }
0xd: {  	[smem:$0x3FB3] =	sst s5  }
0xe: {  	[smem:$0x3FB4] =	sst s6  }
0xf: {  	[smem:$0x3FB5] =	sst s7  }
0x10: {  	[smem:$0x3FB6] =	sst s8  }
0x11: {  	[smem:$0x3FB7] =	sst s9;
	s0 =	simm.s32 @!p0 $0x0  }
0x12: {  	s1 =	sld [smem:$0x3F9D];
	s0 =	simm.s32 @p0 $0x1  }
0x13: {  	[smem:$0x3FB8] =	sst s0;
	s0 =	simm.s32 @!p1 $0x0  }
0x14: {  	s2 =	sld [smem:$0x3F9C];
	s0 =	simm.s32 @p1 $0x1  }
0x15: {  	[smem:$0x3FB9] =	sst s0;
	s0 =	simm.s32 @!p2 $0x0  }
0x16: {  	s3 =	sld [smem:$0x3FDB];
	s0 =	simm.s32 @p2 $0x1  }
0x17: {  	s4 =	simm.s32 $0x1BF5;
	[smem:$0x3FBB] =	sst s0  }
0x18: {  	s0 =	sld [smem:$0x3F9E];
	_ =	swait.ge [sflag:s4], $0x0  }
0x19: {  	s7 =	sld [smem:$0x3F9F]  }
0x1a: {  	s8 =	sadd.s32 $0xFFFFE003, lr  }
0x1b: {  	s9 =	sadd.s32 $0xFFFFFEF7, lr;
	s5 =	simm.s32 $0xFFFFFFFF;
	p2 =	slt.u32 s8, $0xFFFFF086  }
0x1c: {  	p1 =	slt.u32 s9, $0xF7A;
	s5 =	simm.s32 @!p2 $0x0  }
0x1d: {  	s5 =	simm.s32 @p1 $0x1;
	p0 =	seq.s32 s7, s2  }
0x1e: {  	s7 =	smul.u32 @!p0 $0xF7A, s2;
	p2 =	seq.s32 @!p0 s5, $0x0  }
0x1f: {  	s9 =	smul.u32 $0xF7A, s1;
	s8 =	simm.s32 @!p0 $0x1BF5;
	p2 =	por !p2, p0  }
0x20: {  	[sflag:s8] =	ssyncset.s32 @!p0 $0xFFFFF086;
	s6 =	sadd.s32 @!p0 s3, s7;
	s7 =	simm.s32 @!p0 $0x108  }
0x21: {  	s3 =	sadd.s32 s3, s9;
	s6 =	sadd.s32 @!p0 $0x88, s6;
	s7 =	simm.s32 @p2 $0x1082  }
0x22: {  	[simem:s7], [sflag:s8] =	dma.local @!p0 [hbm:s6], $0xF7A  }
0x23: {  	s9 =	sor.u32 $0xD0000000, s2;
	s6 =	simm.s32 $0x108;
	_ =	swait.ge @!p0 [sflag:s8], $0x0  }
0x24: {  	s3 =	sadd.s32 $0x88, s3;
	s6 =	simm.s32 @!p1 $0x1082;
	[sflag:s4] =	ssyncset.s32 $0xFFFFF086  }
0x25: {  	[simem:s6], [sflag:s4] =	dma.local [hbm:s3], $0xF7A  }
0x26: {  	[smem:$0x3F9F] =	sst s1;
	(tag) =	ssettag s2;
	_ =	strace s9  }
0x27: {  	s1 =	sld [smem:$0x3FAF]  }
0x28: {  	s2 =	sld [smem:$0x3FB0]  }
0x29: {  	s4 =	sld [smem:$0x3FB2]  }
0x2a: {  	p0 =	seq.s32 s5, $0x0;
	s5 =	sld [smem:$0x3FB3]  }
0x2b: {  	s6 =	sld [smem:$0x3FB4]  }
0x2c: {  	s7 =	sld [smem:$0x3FB5]  }
0x2d: {  	s3 =	simm.s32 $0x108;
	s8 =	sld [smem:$0x3FB6]  }
0x2e: {  	s3 =	simm.s32 @!p0 $0x1082;
	s9 =	sld [smem:$0x3FB7]  }
0x2f: {  	lr =	sadd.s32 s0, s3;
	s0 =	sld [smem:$0x3FAE]  }
0x30: {  	s3 =	sld [smem:$0x3FB1]  }
0x31: {  	[smem:$0x3FBA] =	sst s10  }
0x32: {  	s10 =	sld [smem:$0x3FB8];
	_ =	sdelay $0x3  }
0x33: {  	p0 =	seq.s32 s10, $0x1;
	s10 =	sld [smem:$0x3FBA];
	_ =	sdelay $0x3  }
0x34: {  	[smem:$0x3FBA] =	sst s10  }
0x35: {  	s10 =	sld [smem:$0x3FB9];
	_ =	sdelay $0x3  }
0x36: {  	p1 =	seq.s32 s10, $0x1;
	s10 =	sld [smem:$0x3FBA];
	_ =	sdelay $0x3  }
0x37: {  	[smem:$0x3FBA] =	sst s10  }
0x38: {  	s10 =	sld [smem:$0x3FBB]  }
0x39: {  	_ = 	snop;
	(pc) =	sbr.ind lr, $3  }
0x3a: {  	_ = 	snop  }
0x3b: {  	_ = 	snop  }
0x3c: {  	p2 =	seq.s32 s10, $0x1;
	s10 =	sld [smem:$0x3FBA]  }
0x3d: {  	_ =	shalt  }
0x3e: {  	_ =	shalt  }
0x3f: {  	_ =	shalt  }
0x40: {  	_ =	shalt  }
0x41: {  	_ =	shalt  }
0x42: {  	_ =	shalt  }
0x43: {  	_ =	shalt  }
0x44: {  	_ =	shalt  }
0x45: {  	_ =	shalt  }
0x46: {  	_ =	shalt  }
0x47: {  	_ =	shalt  }
0x48: {  	_ =	shalt  }
0x49: {  	_ =	shalt  }
0x4a: {  	_ =	shalt  }
0x4b: {  	_ =	shalt  }
0x4c: {  	_ =	shalt  }
0x4d: {  	_ =	shalt  }
0x4e: {  	_ =	shalt  }
0x4f: {  	_ =	shalt  }
0x50: {  	_ =	shalt  }
0x51: {  	_ =	shalt  }
0x52: {  	_ =	shalt  }
0x53: {  	_ =	shalt  }
0x54: {  	_ =	shalt  }
0x55: {  	_ =	shalt  }
0x56: {  	_ =	shalt  }
0x57: {  	_ =	shalt  }
0x58: {  	_ =	shalt  }
0x59: {  	_ =	shalt  }
0x5a: {  	_ =	shalt  }
0x5b: {  	_ =	shalt  }
0x5c: {  	_ =	shalt  }
0x5d: {  	_ =	shalt  }
0x5e: {  	_ =	shalt  }
0x5f: {  	_ =	shalt  }
0x60: {  	_ =	shalt  }
0x61: {  	_ =	shalt  }
0x62: {  	_ =	shalt  }
0x63: {  	_ =	shalt  }
0x64: {  	_ =	shalt  }
0x65: {  	_ =	shalt  }
0x66: {  	_ =	shalt  }
0x67: {  	_ =	shalt  }
0x68: {  	_ =	shalt  }
0x69: {  	_ =	shalt  }
0x6a: {  	_ =	shalt  }
0x6b: {  	_ =	shalt  }
0x6c: {  	_ =	shalt  }
0x6d: {  	_ =	shalt  }
0x6e: {  	_ =	shalt  }
0x6f: {  	_ =	shalt  }
0x70: {  	_ =	shalt  }
0x71: {  	_ =	shalt  }
0x72: {  	_ =	shalt  }
0x73: {  	_ =	shalt  }
0x74: {  	_ =	shalt  }
0x75: {  	_ =	shalt  }
0x76: {  	_ =	shalt  }
0x77: {  	_ =	shalt  }
0x78: {  	_ =	shalt  }
0x79: {  	_ =	shalt  }
0x7a: {  	_ =	shalt  }
0x7b: {  	_ =	shalt  }
0x7c: {  	_ =	shalt  }
0x7d: {  	_ =	shalt  }
0x7e: {  	_ =	shalt  }
0x7f: {  	_ =	shalt  }
0x80: {  	_ =	shalt  }
0x81: {  	_ =	shalt  }
0x82: {  	_ =	shalt  }
0x83: {  	_ =	shalt  }
0x84: {  	_ =	shalt  }
0x85: {  	_ =	shalt  }
0x86: {  	_ =	shalt  }
0x87: {  	_ =	shalt  }
.Lfunc_end0:
.L_simem_size_0:
called_computation_lowered:
.L_overlay_start_0:
0x88: {  	s2 =	sld [smem:$0x3FD9]  }
0x89: {  	s3 =	sld [smem:$0x3FFE];
	_ =	sdelay $0x1  }
0x8a: {  	s1 =	srdreg.scid  }
0x8b: {  	s0 =	sand.u32 $0x1, s1  }
0x8c: {  	s15 =	sshll.u32 s0, $0xA;
	s2 =	sadd.s32 s3, s2  }
0x8d: {  	s2 =	sadd.s32 s2, s15  }
0x8e: {  	[smem:$0x3FC6] =	sst s2  }
0x8f: {  	_ = 	snop  }
0x90: {  	s2 =	sld [smem:$0x3FD0];
	_ =	sdelay $0x1  }
0x91: {  	s16 =	sld [smem:$0x3FC9]  }
0x92: {  	s5 =	simm.s32 $0xA;
	s6 =	simm.s32 $0x10;
	s4 =	sld [smem:$0x3FC8]  }
0x93: {  	[smem:s6], [sflag:s5] =	dma.local [hbm:s2], $0x1  }
0x94: {  	_ =	swait.eq [sflag:s5], $0x1  }
0x95: {  	[sflag:s5] =	ssyncset.done $0x0  }
0x96: {  	[sflag:s5] =	ssyncadd.s32 $0xFFFFFFFF  }
0x97: {  	s17 =	sld [smem:$0x10];
	(tm) =	ssettm $0x1  }
0x98: {  	s18 =	sld [smem:$0x3FFB];
	_ =	sdelay $0x3  }
0x99: {  	_ =	strace s18  }
0x9a: {  	s5 =	sld [smem:$0x3FFC];
	_ =	sdelay $0x3  }
0x9b: {  	_ =	strace s5  }
0x9c: {  	s5 =	sld [smem:$0x3FFD];
	_ =	sdelay $0x3  }
0x9d: {  	_ =	strace s5  }
0x9e: {  	_ =	strace $0x8FFFFFFF  }
0x9f: {  	s19 =	sld [smem:$0x3FDB];
	_ =	sdelay $0x1  }
0xa0: {  	s20 =	simm.s32 $_scs_section_size  }
0xa1: {  	s7 =	simm.s32 $_size__tile_overlayer_lowered;
	s8 =	simm.s32 $_tile_overlayer_lowered  }
0xa2: {  	s23 =	simm.s32 $0x1BFF;
	s22 =	sshll.u32 s8, $0x1;
	s5 =	sadd.s32 s20, s19  }
0xa3: {  	s9 =	simm.s32 $0x0;
	s21 =	sshll.u32 s7, $0x1;
	s7 =	sadd.s32 s22, s5  }
0xa4: {  	[timem:s9], [sflag:s23] =	dma.local [hbm:s7], s21  }
0xa5: {  	_ =	swait.ge [sflag:s23], s21  }
0xa6: {  	s6 =	ssub.s32 $0x0, s21;
	[sflag:s23] =	ssyncset.done $0x0  }
0xa7: {  	[sflag:s23] =	ssyncadd.s32 s6;
	_ =	sdelay $0x1  }
0xa8: {  	s24 =	simm.s32 $0x1B8B  }
0xa9: {  	_ =	swait.ge [sflag:s24], $0x1  }
0xaa: {  	[sflag:s24] =	ssyncset.done $0x0  }
0xab: {  	s25 =	simm.s32 $0x1B8E;
	[sflag:s24] =	ssyncadd.s32 $0xFFFFFFFF  }
0xac: {  	s26 =	simm.s32 $execute0_lowered;
	[smem:$0x3FD2] =	sst s25  }
0xad: {  	s6 =	sshll.u32 s26, $0x1;
	_ =	strace $0x80000046;
	[dreg:$0x1] =	wrdreg $0xFFFFFFFF  }
0xae: {  	s28 =	simm.s32 $_size_execute0_lowered;
	s5 =	sadd.s32 s5, s6;
	[dreg:$0x0] =	wrdreg $0x0  }
0xaf: {  	s6 =	sshll.u32 s28, $0x1;
	[dreg:$0x2] =	wrdreg s5  }
0xb0: {  	[dreg:$0x3] =	wrdreg s6  }
0xb1: {  	[dreg:$0x4] =	wrdreg $0xC0  }
0xb2: {  	_ =	task [dreg:s9], $0x5FFFF  }
0xb3: {  	[dreg:$0x1] =	wrdreg $0xFFFFFFFF  }
0xb4: {  	[dreg:$0x0] =	wrdreg $0x60  }
0xb5: {  	[dreg:$0x2] =	wrdreg s4  }
0xb6: {  	[dreg:$0x3] =	wrdreg s16  }
0xb7: {  	[dreg:$0x4] =	wrdreg s17  }
0xb8: {  	[dreg:$0x5] =	wrdreg $0x9  }
0xb9: {  	_ =	task.clear_ibuf [dreg:s9], $0x6FFFF;
	_ =	strace $0x90000046  }
0xba: {  	s29 =	simm.s32 $0x9;
	_ =	strace $0x80000048  }
0xbb: {  	_ =	swait.ge [sflag:s29], $0x1  }
0xbc: {  	[sflag:s29] =	ssyncadd.s32 $0xFFFFFFFF  }
0xbd: {  	_ =	strace $0x90000048  }
0xbe: {  	_ =	sfence  }
0xbf: {  	s30 =	sld [smem:$0x0];
	_ =	sdelay $0x2  }
0xc0: {  	s31 =	sshll.u32 s1, $0xD;
	s1 =	sshrl.u32 s1, $0x2  }
0xc1: {  	s3 =	sand.u32 $0x4000, s31;
	s1 =	sadd.s32 s1, s30  }
0xc2: {  	s0 =	sor.u32 s3, s0;
	s1 =	sshll.u32 s1, $0x11  }
0xc3: {  	s0 =	sor.u32 s1, s0  }
0xc4: {  	s0 =	sadd.s32 $0x8F2B, s0  }
0xc5: {  	[sflag:s0] =	ssyncadd.remote.s32 $0x1  }
0xc6: {  	_ =	sfence.sel $0xFFFF  }
0xc7: {  	[dreg:$0x0] =	wrdreg $0xFFFFFFFF;
	(pc) =	sbr.abs _section_cstart, $3  }
0xc8: {  	[dreg:$0x1] =	wrdreg $0xFFFFFFFF  }
0xc9: {  	_ =	task.clear_ibuf [dreg:s9], $0x2FFFF;
	_ =	strace $0x9FFFFFFF  }
0xca: {  	(tm) =	ssettm $0x7FFFFFFF  }
0xcb: {  	_ =	shalt  }
tec
execute0_lowered:
.L_overlay_start_1:
0x0: {  	(tag) =	ssettag $0x1  }
0x1: {  	s1 =	rddreg [dreg:$0x0]  }
0x2: {  	s0 =	rddreg [dreg:$0x1]  }
0x3: {  	s3 =	rddreg [dreg:$0x2];
	s2 =	srdreg.scid  }
0x4: {  	s4 =	simm.s32 $0x0;
	s8 =	stileid.u32;
	s2 =	sand.u32 $0x1, s2  }
0x5: {  	s28 =	simm.s32 $0x80;
	s5 =	sshll.u32 s8, $0x8;
	s6 =	sshll.u32 s2, $0x7  }
0x6: {  	[smem:$0x7FF] =	sst s4;
	s7 =	ssub.s32 $0x2, s2;
	s5 =	sor.u32 s6, s5  }
0x7: {  	_ =	strace $0x80000047;
	s24 =	sshrl.u32 s7, $0x1;
	s9 =	sadd.s32 s0, s5  }
0x8: {  	s25 =	sshll.u32 s5, $0x4;
	[dreg:$0x4] =	wrdreg s9;
	s10 =	sadd.s32 $0x6000, s9  }
0x9: {  	s26 =	ssub.s32 s7, s24;
	s11 =	sadd.s32 s3, s25;
	[dreg:$0x5] =	wrdreg s10  }
0xa: {  	s29 =	simm.s32 $0x1C00;
	s5 =	smax.u32 s26, $0x1;
	[dreg:$0x6] =	wrdreg s11  }
0xb: {  	s30 =	simm.s32 $0x5C00;
	s0 =	sadd.s32 $0x10000, s11;
	[dreg:$0x10] =	wrdreg s5  }
0xc: {  	s31 =	simm.s32 $0x2;
	s12 =	sadd.s32 $0x20000, s11;
	[dreg:$0x7] =	wrdreg s0  }
0xd: {  	s15 =	sshll.u32 s8, $0xF;
	s13 =	sadd.s32 $0x30000, s11;
	[dreg:$0x8] =	wrdreg s12  }
0xe: {  	s8 =	simm.s32 $0x3;
	s14 =	sadd.s32 $0x40000, s11;
	[dreg:$0x9] =	wrdreg s13  }
0xf: {  	s2 =	sshll.u32 s2, $0xE;
	s16 =	sadd.s32 $0x2D0000, s11;
	[dreg:$0xa] =	wrdreg s14  }
0x10: {  	s9 =	simm.s32 $0x7;
	s17 =	sadd.s32 $0x2E0000, s11;
	[dreg:$0xb] =	wrdreg s16  }
0x11: {  	s18 =	sadd.s32 $0x2F0000, s11;
	s19 =	sadd.s32 $0x300000, s11;
	[dreg:$0xc] =	wrdreg s17  }
0x12: {  	s6 =	sadd.s32 $0x310000, s11;
	s10 =	simm.s32 $0x4;
	[dreg:$0xd] =	wrdreg s18  }
0x13: {  	s11 =	simm.s32 $0x8;
	s5 =	simm.s32 $0x5;
	[dreg:$0xe] =	wrdreg s19  }
0x14: {  	s0 =	sor.u32 s2, s15;
	[dreg:$0xf] =	wrdreg s6;
	s17 =	simm.s32 $0x1800  }
0x15: {  	s6 =	simm.s32 $0x6;
	s12 =	simm.s32 $0x9;
	s13 =	simm.s32 $0xA  }
0x16: {  	s14 =	simm.s32 $0x0;
	s20 =	sor.u32 $0x380000, s0;
	s21 =	sor.u32 $0x300000, s0  }
0x17: {  	s23 =	sor.u32 $0x480000, s0;
	s24 =	sor.u32 $0x400000, s0;
	s0 =	sor.u32 $0x280000, s0  }
0x18: {  	s2 =	sshrl.u32 s20, $0x3;
	s22 =	sshrl.u32 s21, $0x3;
	[dreg:$0x13] =	wrdreg s0  }
0x19: {  	s25 =	sshrl.u32 s23, $0x3;
	s26 =	sshrl.u32 s24, $0x3;
	s0 =	simm.s32 $0x9C00  }
0x1a: {  	s23 =	simm.s32 $0xDC00;
	s24 =	simm.s32 $0x1;
	s2 =	sadd.s32 s2, s3  }
0x1b: {  	s18 =	sadd.s32 s25, s3;
	[dreg:$0x11] =	wrdreg s2;
	s2 =	sadd.s32 s22, s3  }
0x1c: {  	s22 =	sadd.s32 s26, s3;
	[dreg:$0x12] =	wrdreg s2;
	s2 =	simm.s32 $0x11C00  }
.LBB2_1:
0x1d: {  	s7 =	rddreg [dreg:$0x4];
	s15 =	simm.s32 $0x400;
	s16 =	simm.s32 $0x8000  }
0x1e: {  	[tilespmem:s4], [sflag:$0xB] =	stream.strided.gather [hbm4b:s7+s15], $0x1800, s16, s15, $0x38;
	[tilespmem:$0x15C00] =	vst v63  }
0x1f: {  	s21 =	rddreg [dreg:$0x5];
	s25 =	simm.s32 $0xB  }
0x20: {  	[tilespmem:s17], [sflag:$0xB] =	stream.linear.gather [hbm4b:s21+s4], $0x100, $0x38;
	[tilespmem:$0x15C00] =	vst v63  }
0x21: {  	_ =	swait.ge [sflag:s25], $0x1900  }
0x22: {  	[sflag:s25] =	ssyncset.done $0x0  }
0x23: {  	[sflag:s25] =	ssyncadd.s32 $0xFFFFE700  }
0x24: {  	[tilespmem:s29], [sflag:$0x1] =	stream.indirect.gather [hbm4b:s1+s28], $0x80, s4, s28, $0xb8;
	[tilespmem:$0x15C00] =	vst v63  }
0x25: {  	_ = 	snop  }
0x26: {  	[tilespmem:s30], [sflag:$0x2] =	stream.indirect.gather [hbm4b:s1+s28], $0x80, s28, s28, $0xb8;
	[tilespmem:$0x15C00] =	vst v63  }
0x27: {  	s26 =	simm.s32 $0x100  }
0x28: {  	[tilespmem:s0], [sflag:$0x3] =	stream.indirect.gather [hbm4b:s1+s28], $0x80, s26, s28, $0xb8;
	[tilespmem:$0x15C00] =	vst v63  }
0x29: {  	s15 =	simm.s32 $0x180  }
0x2a: {  	[tilespmem:s23], [sflag:$0x4] =	stream.indirect.gather [hbm4b:s1+s28], $0x80, s15, s28, $0xb8;
	[tilespmem:$0x15C00] =	vst v63  }
0x2b: {  	_ =	swait.ge [sflag:s24], $0x4000  }
0x2c: {  	[sflag:s24] =	ssyncset.done $0x0  }
0x2d: {  	s16 =	rddreg [dreg:$0x6];
	[sflag:s24] =	ssyncadd.s32 $0xFFFFC000  }
0x2e: {  	[hbm4b:s16+s4] =	stream.linear.scatter [tilespmem:s29], [sflag:$0x6], $0x4000, $0x38;
	[tilespmem:$0x15C00] =	vst v63  }
0x2f: {  	s17 =	simm.s32 $0x200  }
0x30: {  	[tilespmem:s2], [sflag:$0x5] =	stream.indirect.gather [hbm4b:s1+s28], $0x80, s17, s28, $0xb8;
	[tilespmem:$0x15C00] =	vst v63  }
0x31: {  	_ =	swait.ge [sflag:s31], $0x4000  }
0x32: {  	[sflag:s31] =	ssyncset.done $0x0  }
0x33: {  	s19 =	rddreg [dreg:$0x7];
	[sflag:s31] =	ssyncadd.s32 $0xFFFFC000  }
0x34: {  	[hbm4b:s19+s4] =	stream.linear.scatter [tilespmem:s30], [sflag:$0x7], $0x4000, $0x38;
	[tilespmem:$0x15C00] =	vst v63  }
0x35: {  	_ =	swait.ge [sflag:s6], $0x4000  }
0x36: {  	[sflag:s6] =	ssyncset.done $0x0  }
0x37: {  	s20 =	simm.s32 $0x280;
	[sflag:s6] =	ssyncadd.s32 $0xFFFFC000  }
0x38: {  	[tilespmem:s29], [sflag:$0x1] =	stream.indirect.gather [hbm4b:s1+s28], $0x80, s20, s28, $0xb8;
	[tilespmem:$0x15C00] =	vst v63  }
0x39: {  	_ =	swait.ge [sflag:s8], $0x4000  }
0x3a: {  	[sflag:s8] =	ssyncset.done $0x0  }
0x3b: {  	s21 =	rddreg [dreg:$0x8];
	[sflag:s8] =	ssyncadd.s32 $0xFFFFC000  }
0x3c: {  	[hbm4b:s21+s4] =	stream.linear.scatter [tilespmem:s0], [sflag:$0x8], $0x4000, $0x38;
	[tilespmem:$0x15C00] =	vst v63  }
0x3d: {  	_ =	swait.ge [sflag:s9], $0x4000  }
0x3e: {  	[sflag:s9] =	ssyncset.done $0x0  }
0x3f: {  	s25 =	simm.s32 $0x300;
	[sflag:s9] =	ssyncadd.s32 $0xFFFFC000  }
0x40: {  	[tilespmem:s30], [sflag:$0x2] =	stream.indirect.gather [hbm4b:s1+s28], $0x80, s25, s28, $0xb8;
	[tilespmem:$0x15C00] =	vst v63  }
0x41: {  	_ =	swait.ge [sflag:s10], $0x4000  }
0x42: {  	[sflag:s10] =	ssyncset.done $0x0  }
0x43: {  	s26 =	rddreg [dreg:$0x9];
	[sflag:s10] =	ssyncadd.s32 $0xFFFFC000  }
0x44: {  	[hbm4b:s26+s4] =	stream.linear.scatter [tilespmem:s23], [sflag:$0x9], $0x4000, $0x38;
	[tilespmem:$0x15C00] =	vst v63  }
0x45: {  	_ =	swait.ge [sflag:s11], $0x4000  }
0x46: {  	[sflag:s11] =	ssyncset.done $0x0  }
0x47: {  	s15 =	simm.s32 $0x380;
	[sflag:s11] =	ssyncadd.s32 $0xFFFFC000  }
0x48: {  	[tilespmem:s0], [sflag:$0x3] =	stream.indirect.gather [hbm4b:s1+s28], $0x80, s15, s28, $0xb8;
	[tilespmem:$0x15C00] =	vst v63  }
0x49: {  	_ =	swait.ge [sflag:s5], $0x4000  }
0x4a: {  	[sflag:s5] =	ssyncset.done $0x0  }
0x4b: {  	s16 =	rddreg [dreg:$0xa];
	[sflag:s5] =	ssyncadd.s32 $0xFFFFC000  }
0x4c: {  	[hbm4b:s16+s4] =	stream.linear.scatter [tilespmem:s2], [sflag:$0xA], $0x4000, $0x38;
	[tilespmem:$0x15C00] =	vst v63  }
0x4d: {  	_ =	swait.ge [sflag:s12], $0x4000  }
0x4e: {  	[sflag:s12] =	ssyncset.done $0x0  }
0x4f: {  	s17 =	simm.s32 $0x400;
	[sflag:s12] =	ssyncadd.s32 $0xFFFFC000  }
0x50: {  	[tilespmem:s23], [sflag:$0x4] =	stream.indirect.gather [hbm4b:s1+s28], $0x80, s17, s28, $0xb8;
	[tilespmem:$0x15C00] =	vst v63  }
0x51: {  	_ =	swait.ge [sflag:s24], $0x4000  }
0x52: {  	s17 =	rddreg [dreg:$0x13]  }
0x53: {  	[sflag:s24] =	ssyncset.done $0x0;
	s19 =	sshrl.u32 s17, $0x3  }
0x54: {  	[sflag:s24] =	ssyncadd.s32 $0xFFFFC000;
	s7 =	sadd.s32 s3, s19  }
0x55: {  	[hbm4b:s7+s4] =	stream.linear.scatter [tilespmem:s29], [sflag:$0x6], $0x4000, $0x38;
	[tilespmem:$0x15C00] =	vst v63  }
0x56: {  	_ =	swait.ge [sflag:s13], $0x4000  }
0x57: {  	[sflag:s13] =	ssyncset.done $0x0  }
0x58: {  	s20 =	simm.s32 $0x480;
	[sflag:s13] =	ssyncadd.s32 $0xFFFFC000  }
0x59: {  	[tilespmem:s2], [sflag:$0x5] =	stream.indirect.gather [hbm4b:s1+s28], $0x80, s20, s28, $0xb8;
	[tilespmem:$0x15C00] =	vst v63  }
0x5a: {  	_ =	swait.ge [sflag:s31], $0x4000  }
0x5b: {  	[sflag:s31] =	ssyncset.done $0x0  }
0x5c: {  	s20 =	rddreg [dreg:$0x12];
	[sflag:s31] =	ssyncadd.s32 $0xFFFFC000  }
0x5d: {  	[hbm4b:s20+s4] =	stream.linear.scatter [tilespmem:s30], [sflag:$0x7], $0x4000, $0x38;
	[tilespmem:$0x15C00] =	vst v63  }
0x5e: {  	_ =	swait.ge [sflag:s6], $0x4000  }
0x5f: {  	[sflag:s6] =	ssyncset.done $0x0  }
0x60: {  	s21 =	simm.s32 $0x500;
	[sflag:s6] =	ssyncadd.s32 $0xFFFFC000  }
0x61: {  	[tilespmem:s29], [sflag:$0x1] =	stream.indirect.gather [hbm4b:s1+s28], $0x80, s21, s28, $0xb8;
	[tilespmem:$0x15C00] =	vst v63  }
0x62: {  	_ =	swait.ge [sflag:s8], $0x4000  }
0x63: {  	[sflag:s8] =	ssyncset.done $0x0  }
0x64: {  	s19 =	rddreg [dreg:$0x11];
	[sflag:s8] =	ssyncadd.s32 $0xFFFFC000  }
0x65: {  	[hbm4b:s19+s4] =	stream.linear.scatter [tilespmem:s0], [sflag:$0x8], $0x4000, $0x38;
	[tilespmem:$0x15C00] =	vst v63  }
0x66: {  	_ =	swait.ge [sflag:s9], $0x4000  }
0x67: {  	[sflag:s9] =	ssyncset.done $0x0  }
0x68: {  	s25 =	simm.s32 $0x580;
	[sflag:s9] =	ssyncadd.s32 $0xFFFFC000  }
0x69: {  	[tilespmem:s30], [sflag:$0x2] =	stream.indirect.gather [hbm4b:s1+s28], $0x80, s25, s28, $0xb8;
	[tilespmem:$0x15C00] =	vst v63  }
0x6a: {  	_ =	swait.ge [sflag:s10], $0x4000  }
0x6b: {  	[sflag:s10] =	ssyncset.done $0x0  }
0x6c: {  	[sflag:s10] =	ssyncadd.s32 $0xFFFFC000  }
0x6d: {  	[hbm4b:s22+s4] =	stream.linear.scatter [tilespmem:s23], [sflag:$0x9], $0x4000, $0x38;
	[tilespmem:$0x15C00] =	vst v63  }
0x6e: {  	_ =	swait.ge [sflag:s11], $0x4000  }
0x6f: {  	[sflag:s11] =	ssyncset.done $0x0  }
0x70: {  	s26 =	simm.s32 $0x600;
	s15 =	simm.s32 $0xA00;
	[sflag:s11] =	ssyncadd.s32 $0xFFFFC000  }
0x71: {  	[tilespmem:s0], [sflag:$0x3] =	stream.indirect.gather [hbm4b:s1+s28], $0x80, s26, s28, $0xb8;
	[tilespmem:$0x15C00] =	vst v63  }
0x72: {  	s16 =	sadd.s32 $0x50000, s22;
	s17 =	sadd.s32 $0x280000, s17;
	_ =	swait.ge [sflag:s5], $0x4000  }
0x73: {  	s21 =	smov.u32 s18;
	s7 =	sadd.s32 $0x50000, s19;
	[sflag:s5] =	ssyncset.done $0x0  }
0x74: {  	s25 =	sadd.s32 $0x50000, s18;
	s26 =	sadd.s32 $0x50000, s20;
	[sflag:s5] =	ssyncadd.s32 $0xFFFFC000  }
.LBB2_2:
0x75: {  	[hbm4b:s21+s4] =	stream.linear.scatter [tilespmem:s2], [sflag:$0xA], $0x4000, $0x38;
	[tilespmem:$0x15C00] =	vst v63  }
0x76: {  	s19 =	smov.u32 s15;
	s21 =	smov.u32 s25  }
0x77: {  	p0 =	sne.s32 s15, $0x4600;
	s15 =	sadd.s32 $0xA00, s15;
	_ =	swait.ge [sflag:s12], $0x4000  }
0x78: {  	s19 =	sshra.s32 s19, $0x2;
	[sflag:s12] =	ssyncset.done $0x0  }
0x79: {  	s20 =	sadd.s32 $0x400, s19;
	[sflag:s12] =	ssyncadd.s32 $0xFFFFC000  }
0x7a: {  	[tilespmem:s23], [sflag:$0x4] =	stream.indirect.gather [hbm4b:s1+s28], $0x80, s20, s28, $0xb8;
	[tilespmem:$0x15C00] =	vst v63  }
0x7b: {  	_ =	swait.ge [sflag:s24], $0x4000  }
0x7c: {  	s20 =	sshrl.u32 s17, $0x3;
	[sflag:s24] =	ssyncset.done $0x0  }
0x7d: {  	s20 =	sadd.s32 s3, s20;
	[sflag:s24] =	ssyncadd.s32 $0xFFFFC000  }
0x7e: {  	[hbm4b:s20+s4] =	stream.linear.scatter [tilespmem:s29], [sflag:$0x6], $0x4000, $0x38;
	[tilespmem:$0x15C00] =	vst v63  }
0x7f: {  	_ =	swait.ge [sflag:s13], $0x4000  }
0x80: {  	[sflag:s13] =	ssyncset.done $0x0  }
0x81: {  	s20 =	sadd.s32 $0x480, s19;
	[sflag:s13] =	ssyncadd.s32 $0xFFFFC000  }
0x82: {  	[tilespmem:s2], [sflag:$0x5] =	stream.indirect.gather [hbm4b:s1+s28], $0x80, s20, s28, $0xb8;
	[tilespmem:$0x15C00] =	vst v63  }
0x83: {  	_ =	swait.ge [sflag:s31], $0x4000  }
0x84: {  	[sflag:s31] =	ssyncset.done $0x0  }
0x85: {  	[sflag:s31] =	ssyncadd.s32 $0xFFFFC000  }
0x86: {  	[hbm4b:s26+s4] =	stream.linear.scatter [tilespmem:s30], [sflag:$0x7], $0x4000, $0x38;
	[tilespmem:$0x15C00] =	vst v63  }
0x87: {  	_ =	swait.ge [sflag:s6], $0x4000  }
0x88: {  	[sflag:s6] =	ssyncset.done $0x0  }
0x89: {  	s20 =	sadd.s32 $0x500, s19;
	[sflag:s6] =	ssyncadd.s32 $0xFFFFC000  }
0x8a: {  	[tilespmem:s29], [sflag:$0x1] =	stream.indirect.gather [hbm4b:s1+s28], $0x80, s20, s28, $0xb8;
	[tilespmem:$0x15C00] =	vst v63  }
0x8b: {  	_ =	swait.ge [sflag:s8], $0x4000  }
0x8c: {  	[sflag:s8] =	ssyncset.done $0x0  }
0x8d: {  	[sflag:s8] =	ssyncadd.s32 $0xFFFFC000  }
0x8e: {  	[hbm4b:s7+s4] =	stream.linear.scatter [tilespmem:s0], [sflag:$0x8], $0x4000, $0x38;
	[tilespmem:$0x15C00] =	vst v63  }
0x8f: {  	_ =	swait.ge [sflag:s9], $0x4000  }
0x90: {  	[sflag:s9] =	ssyncset.done $0x0  }
0x91: {  	s20 =	sadd.s32 $0x580, s19;
	[sflag:s9] =	ssyncadd.s32 $0xFFFFC000  }
0x92: {  	[tilespmem:s30], [sflag:$0x2] =	stream.indirect.gather [hbm4b:s1+s28], $0x80, s20, s28, $0xb8;
	[tilespmem:$0x15C00] =	vst v63  }
0x93: {  	_ =	swait.ge [sflag:s10], $0x4000  }
0x94: {  	[sflag:s10] =	ssyncset.done $0x0  }
0x95: {  	[sflag:s10] =	ssyncadd.s32 $0xFFFFC000  }
0x96: {  	[hbm4b:s16+s4] =	stream.linear.scatter [tilespmem:s23], [sflag:$0x9], $0x4000, $0x38;
	[tilespmem:$0x15C00] =	vst v63  }
0x97: {  	_ =	swait.ge [sflag:s11], $0x4000  }
0x98: {  	[sflag:s11] =	ssyncset.done $0x0  }
.Ltmp0:
0x99: {  	s19 =	sadd.s32 $0x600, s19;
	[sflag:s11] =	ssyncadd.s32 $0xFFFFC000;
	(pc) =	sbr.rel @p0 .LBB2_2-.Ltmp0, $4  }
0x9a: {  	[tilespmem:s0], [sflag:$0x3] =	stream.indirect.gather [hbm4b:s1+s28], $0x80, s19, s28, $0xb8;
	[tilespmem:$0x15C00] =	vst v63  }
0x9b: {  	s16 =	sadd.s32 $0x50000, s16;
	_ =	swait.ge [sflag:s5], $0x4000  }
0x9c: {  	s25 =	sadd.s32 $0x50000, s25;
	s17 =	sadd.s32 $0x280000, s17;
	[sflag:s5] =	ssyncset.done $0x0  }
0x9d: {  	s26 =	sadd.s32 $0x50000, s26;
	s7 =	sadd.s32 $0x50000, s7;
	[sflag:s5] =	ssyncadd.s32 $0xFFFFC000  }
0x9e: {  	[hbm4b:s21+s4] =	stream.linear.scatter [tilespmem:s2], [sflag:$0xA], $0x4000, $0x38;
	[tilespmem:$0x15C00] =	vst v63  }
0x9f: {  	_ =	swait.ge [sflag:s12], $0x4000  }
0xa0: {  	[sflag:s12] =	ssyncset.done $0x0  }
0xa1: {  	s17 =	simm.s32 $0x1800;
	[sflag:s12] =	ssyncadd.s32 $0xFFFFC000  }
0xa2: {  	[tilespmem:s23], [sflag:$0x4] =	stream.indirect.gather [hbm4b:s1+s28], $0x80, s17, s28, $0xb8;
	[tilespmem:$0x15C00] =	vst v63  }
0xa3: {  	_ =	swait.ge [sflag:s24], $0x4000  }
0xa4: {  	[sflag:s24] =	ssyncset.done $0x0  }
0xa5: {  	s7 =	rddreg [dreg:$0xb];
	[sflag:s24] =	ssyncadd.s32 $0xFFFFC000  }
0xa6: {  	[hbm4b:s7+s4] =	stream.linear.scatter [tilespmem:s29], [sflag:$0x6], $0x4000, $0x38;
	[tilespmem:$0x15C00] =	vst v63  }
0xa7: {  	_ =	swait.ge [sflag:s13], $0x4000  }
0xa8: {  	[sflag:s13] =	ssyncset.done $0x0  }
0xa9: {  	s16 =	simm.s32 $0x1880;
	[sflag:s13] =	ssyncadd.s32 $0xFFFFC000  }
0xaa: {  	[tilespmem:s2], [sflag:$0x5] =	stream.indirect.gather [hbm4b:s1+s28], $0x80, s16, s28, $0xb8;
	[tilespmem:$0x15C00] =	vst v63  }
0xab: {  	_ =	swait.ge [sflag:s31], $0x4000  }
0xac: {  	[sflag:s31] =	ssyncset.done $0x0  }
0xad: {  	s19 =	rddreg [dreg:$0xc];
	[sflag:s31] =	ssyncadd.s32 $0xFFFFC000  }
0xae: {  	[hbm4b:s19+s4] =	stream.linear.scatter [tilespmem:s30], [sflag:$0x7], $0x4000, $0x38;
	[tilespmem:$0x15C00] =	vst v63  }
0xaf: {  	_ =	swait.ge [sflag:s8], $0x4000  }
0xb0: {  	[sflag:s8] =	ssyncset.done $0x0  }
0xb1: {  	s20 =	rddreg [dreg:$0xd];
	[sflag:s8] =	ssyncadd.s32 $0xFFFFC000  }
0xb2: {  	[hbm4b:s20+s4] =	stream.linear.scatter [tilespmem:s0], [sflag:$0x8], $0x4000, $0x38;
	[tilespmem:$0x15C00] =	vst v63  }
0xb3: {  	_ =	swait.ge [sflag:s10], $0x4000  }
0xb4: {  	[sflag:s10] =	ssyncset.done $0x0  }
0xb5: {  	s21 =	rddreg [dreg:$0xe];
	[sflag:s10] =	ssyncadd.s32 $0xFFFFC000  }
0xb6: {  	[hbm4b:s21+s4] =	stream.linear.scatter [tilespmem:s23], [sflag:$0x9], $0x4000, $0x38;
	[tilespmem:$0x15C00] =	vst v63  }
0xb7: {  	_ =	swait.ge [sflag:s5], $0x4000  }
0xb8: {  	[sflag:s5] =	ssyncset.done $0x0  }
0xb9: {  	s25 =	rddreg [dreg:$0xf];
	[sflag:s5] =	ssyncadd.s32 $0xFFFFC000  }
0xba: {  	[hbm4b:s25+s4] =	stream.linear.scatter [tilespmem:s2], [sflag:$0xA], $0x4000, $0x38;
	[tilespmem:$0x15C00] =	vst v63  }
0xbb: {  	_ =	swait.ge [sflag:s6], $0x4000  }
0xbc: {  	[sflag:s6] =	ssyncset.done $0x0  }
0xbd: {  	[sflag:s6] =	ssyncadd.s32 $0xFFFFC000  }
0xbe: {  	_ =	swait.ge [sflag:s9], $0x4000  }
0xbf: {  	[sflag:s9] =	ssyncset.done $0x0  }
0xc0: {  	[sflag:s9] =	ssyncadd.s32 $0xFFFFC000  }
0xc1: {  	_ =	swait.ge [sflag:s11], $0x4000  }
0xc2: {  	[sflag:s11] =	ssyncset.done $0x0  }
0xc3: {  	[sflag:s11] =	ssyncadd.s32 $0xFFFFC000  }
0xc4: {  	_ =	swait.ge [sflag:s12], $0x4000  }
0xc5: {  	[sflag:s12] =	ssyncset.done $0x0  }
0xc6: {  	[sflag:s12] =	ssyncadd.s32 $0xFFFFC000  }
0xc7: {  	_ =	swait.ge [sflag:s13], $0x4000  }
0xc8: {  	s14 =	sadd.s32 $0x1, s14;
	s26 =	rddreg [dreg:$0x10]  }
0xc9: {  	p0 =	sne.s32 s14, s26  }
.Ltmp1:
0xca: {  	_ = 	snop;
	(pc) =	sbr.rel @p0 .LBB2_1-.Ltmp1, $3  }
0xcb: {  	_ =	sdelay $0x1  }
0xcc: {  	[sflag:s13] =	ssyncset.done $0x0  }
0xcd: {  	[sflag:s13] =	ssyncadd.s32 $0xFFFFC000  }
0xce: {  	_ =	sfence.sel $0x180000  }
0xcf: {  	[bflag:$0x0] =	sbarrier.arrive $0xFFFF  }
0xd0: {  	_ =	strace $0x90000047  }
0xd1: {  	s0 =	stileid.u32;
	[bflag:$0x2] =	sbarrier.arrive $0xFFFF  }
0xd2: {  	p0 =	sne.s32 s0, $0x0;
	s0 =	rddreg [dreg:$0x3]  }
0xd3: {  	s0 =	sadd.s32 @!p0 $0x100000, s0  }
0xd4: {  	[sflag:s0] =	ssyncadd.tile.s32 @!p0 $0x1;
	_ =	shalt  }
.Lfunc_end2:
_tile_overlayer_lowered:
.L_overlay_start_2:
0xd5: {  	(tag) =	ssettag $0x2  }
0xd6: {  	s0 =	rddreg [dreg:$0x0];
	s2 =	stileid.u32  }
0xd7: {  	s1 =	rddreg [dreg:$0x1];
	p0 =	sne.s32 s2, $0x0  }
0xd8: {  	s3 =	rddreg [dreg:$0x2];
	[bflag:$0x3] =	sbarrier.arrive $0xFFFF;
	s2 =	simm.s32 @!p0 $0x1C0B  }
0xd9: {  	[timem:s3], [sflag:s2] =	dma.local @!p0 [hbm:s0], s1  }
0xda: {  	s0 =	simm.s32 @!p0 $0xB  }
0xdb: {  	_ =	swait.ge @!p0 [sflag:s0], s1  }
0xdc: {  	s1 =	ssub.s32 @!p0 $0x0, s1;
	[sflag:s0] =	ssyncset.done @!p0 $0x0  }
0xdd: {  	[sflag:s0] =	ssyncadd.s32 @!p0 s1  }
0xde: {  	[bflag:$0x3] =	sbarrier.arrive $0xFFFF  }
0xdf: {  	_ =	shalt  }

</sc_bundles>
